<compile_context>
chip_gen: v7x
topology: tpu7x:2x2x1
jax: 0.10.2.dev20260603
libtpu: 0.0.44.dev20260713+nightly
codegen_flags: <defaults>
</compile_context>

<pallas_src>
import functools

import jax
import jax.numpy as jnp
from jax import lax
from jax.experimental import pallas as pl
from jax.experimental.pallas import tpu as pltpu
from jax.experimental.pallas import tpu_sc as plsc

N = 10000
E = 320000
C = 14
D = 128
H = 128
NCT = 25
CP = 48

NCORES = 2
NSUB = 16
NW = NCORES * NSUB
EW = E // NW
BA = 400
BC = 400
SG = 80
NSG = BA // SG
NSGC = BC // SG
BE = 8000
NP = 10240
BN = 2000
NROWS = NP // NSUB

_f32 = jnp.float32
_i32 = jnp.int32


def _silu(x):
    return x * (1.0 / (1.0 + jnp.exp(-x)))


def _sc_mesh():
    return plsc.VectorSubcoreMesh(
        core_axis_name="c", subcore_axis_name="s",
        num_cores=NCORES, num_subcores=NSUB)


def _phase_a(Xp, S32, src, dst):
    @functools.partial(
        pl.kernel,
        out_type=[
            jax.ShapeDtypeStruct((E, CP), _f32),
            jax.ShapeDtypeStruct((E,), _i32),
            jax.ShapeDtypeStruct((E,), _i32),
        ],
        mesh=_sc_mesh(),
        compiler_params=pltpu.CompilerParams(needs_layout_passes=False,
                                             use_tc_tiling_on_sc=False),
        scratch_types=[
            pltpu.VMEM((N,), _i32),
            pltpu.VMEM((BA,), _i32),
            pltpu.VMEM((BA,), _i32),
            pltpu.VMEM((BA, CP), _f32),
            pltpu.VMEM((BA, CP), _f32),
            pltpu.VMEM((BA,), _i32),
            pltpu.VMEM((BA,), _i32),
            pltpu.SemaphoreType.DMA,
            pltpu.SemaphoreType.DMA,
        ],
    )
    def body(xp_h, s_h, src_h, dst_h, rel_h, ssrc_h, sdst_h,
             s_v, si_v, di_v, xs_v, xd_v, ss_v, sd_v, sem1, sem2):
        wid = lax.axis_index("s") * NCORES + lax.axis_index("c")
        base0 = wid * EW
        pltpu.sync_copy(s_h, s_v)

        def chunk(ci, carry):
            base = base0 + ci * BA
            pltpu.sync_copy(src_h.at[pl.ds(base, BA)], si_v)
            pltpu.sync_copy(dst_h.at[pl.ds(base, BA)], di_v)
            cps = []
            for k in range(NSG):
                o = k * SG
                cps.append(pltpu.async_copy(
                    xp_h.at[si_v.at[pl.ds(o, SG)]],
                    xs_v.at[pl.ds(o, SG)], sem1))
                cps.append(pltpu.async_copy(
                    xp_h.at[di_v.at[pl.ds(o, SG)]],
                    xd_v.at[pl.ds(o, SG)], sem2))

            def sgather(i, c2):
                o = i * 16
                ii = si_v[pl.ds(o, 16)]
                ss_v[pl.ds(o, 16)] = plsc.load_gather(s_v, [ii])
                jj = di_v[pl.ds(o, 16)]
                sd_v[pl.ds(o, 16)] = plsc.load_gather(s_v, [jj])
                return c2

            lax.fori_loop(0, BA // 16, sgather, 0)
            for cp in cps:
                cp.wait()

            def row(e, c2):
                for c0 in (0, 16, 32):
                    a = xs_v[e, pl.ds(c0, 16)]
                    b = xd_v[e, pl.ds(c0, 16)]
                    xs_v[e, pl.ds(c0, 16)] = a - b
                return c2

            lax.fori_loop(0, BA, row, 0)
            pltpu.sync_copy(xs_v, rel_h.at[pl.ds(base, BA)])
            pltpu.sync_copy(ss_v, ssrc_h.at[pl.ds(base, BA)])
            pltpu.sync_copy(sd_v, sdst_h.at[pl.ds(base, BA)])
            return carry

        lax.fori_loop(0, EW // BA, chunk, 0)

    return body(Xp, S32, src, dst)


def _edge_mlp(ss_ref, sd_ref, rel_ref, wre_ref, br_ref, t64_ref,
              w1c_ref, b1_ref, w2_ref, b2_ref, wx_ref, bx_ref, g_ref,
              dc_ref, p_ref):
    rel = rel_ref[...]
    sq = rel * rel
    rp = jnp.dot(sq, wre_ref[...], preferred_element_type=_f32) + br_ref[...]
    rf = _silu(rp)
    dn = (((0,), (0,)), ((), ()))
    i64 = lax.broadcasted_iota(_i32, (64, BE), 0)
    oh = ((i64 == ss_ref[0]).astype(_f32)
          + (i64 == sd_ref[0] + 32).astype(_f32))
    pre = (lax.dot_general(oh, t64_ref[...], dn, preferred_element_type=_f32)
           + jnp.dot(rf, w1c_ref[...], preferred_element_type=_f32)
           + b1_ref[...])
    m1 = _silu(pre)
    m = _silu(jnp.dot(m1, w2_ref[...], preferred_element_type=_f32) + b2_ref[...])
    coef = jnp.dot(m, wx_ref[...], preferred_element_type=_f32) + bx_ref[...]
    cexp = jnp.dot(coef, g_ref[...], preferred_element_type=_f32)
    wrel = rel * cexp + dc_ref[...]
    p_ref[0] = jnp.concatenate([m[:, :64], wrel[:, :32]], axis=1)
    p_ref[1] = jnp.concatenate(
        [m[:, 64:], wrel[:, 32:], jnp.zeros((BE, 16), _f32)], axis=1)


def _phase_b(ss3, sd3, rel, Wre, br2, T64, W1c, b12, W2, b22,
             Wxp, bxp, G, dc):
    nblk = E // BE
    full = lambda shape: pl.BlockSpec(shape, lambda i: (0,) * len(shape))
    return pl.pallas_call(
        _edge_mlp,
        grid=(nblk,),
        in_specs=[
            pl.BlockSpec((1, 1, BE), lambda i: (i, 0, 0)),
            pl.BlockSpec((1, 1, BE), lambda i: (i, 0, 0)),
            pl.BlockSpec((BE, CP), lambda i: (i, 0)),
            full((CP, H)), full((1, H)), full((64, H)),
            full((H, H)), full((1, H)), full((H, H)), full((1, H)),
            full((H, 16)), full((1, 16)), full((16, CP)), full((1, CP)),
        ],
        out_specs=pl.BlockSpec((2, BE, 96), lambda i: (0, i, 0)),
        out_shape=jax.ShapeDtypeStruct((2, E, 96), _f32),
    )(ss3, sd3, rel, Wre, br2, T64, W1c, b12, W2, b22, Wxp, bxp, G, dc)


def _phase_c(p, dst4):
    @functools.partial(
        pl.kernel,
        out_type=jax.ShapeDtypeStruct((NCORES, NP, 96), _f32),
        mesh=_sc_mesh(),
        compiler_params=pltpu.CompilerParams(needs_layout_passes=False,
                                             use_tc_tiling_on_sc=False),
        scratch_types=[
            pltpu.VMEM((NSGC, SG), _i32),
            pltpu.VMEM((BC, 96), _f32),
            pltpu.VMEM((128, 96), _f32),
            pltpu.VMEM_SHARED((NP, 96), _f32),
        ],
    )
    def body(p_h, dst4_h, acc2_h, di_v, p_v, za_v, acc_s):
        cid = lax.axis_index("c")
        sid = lax.axis_index("s")

        def zza(i, c2):
            za_v[i // 6, pl.ds((i % 6) * 16, 16)] = jnp.zeros((16,), _f32)
            return c2

        lax.fori_loop(0, 128 * 6, zza, 0)
        row0 = sid * NROWS
        for k in range(NROWS // 128):
            pltpu.sync_copy(za_v, acc_s.at[pl.ds(row0 + k * 128, 128)])
        plsc.subcore_barrier()
        nch = EW * NCORES // BC

        def chunk(ci, carry):
            cidx = sid * nch + ci
            pltpu.sync_copy(dst4_h.at[cidx], di_v)
            pltpu.sync_copy(p_h.at[cid, pl.ds(cidx * BC, BC)], p_v)
            for k in range(NSGC):
                pltpu.sync_copy(p_v.at[pl.ds(k * SG, SG)],
                                acc_s.at[di_v.at[k]], add=True)
            return carry

        lax.fori_loop(0, nch, chunk, 0)
        plsc.subcore_barrier()
        pltpu.sync_copy(acc_s.at[pl.ds(row0, NROWS)],
                        acc2_h.at[cid, pl.ds(row0, NROWS)])

    return body(p, dst4)


def _node_update(s_ref, xp_ref, tab_ref, acc_ref, wh1_ref, wh2_ref,
                 bh_ref, wo_ref, bo_ref, lg_ref, xo_ref):
    dn = (((0,), (0,)), ((), ()))
    oh = (lax.broadcasted_iota(_i32, (32, BN), 0) == s_ref[0]).astype(_f32)
    h = lax.dot_general(oh, tab_ref[...], dn, preferred_element_type=_f32)
    a0 = acc_ref[0]
    a1 = acc_ref[1]
    agg = jnp.concatenate([a0[:, :64], a1[:, :64]], axis=1)
    t = (jnp.dot(h, wh1_ref[...], preferred_element_type=_f32)
         + jnp.dot(agg, wh2_ref[...], preferred_element_type=_f32)
         + bh_ref[...])
    ho = h + _silu(t)
    lg = jnp.dot(ho, wo_ref[...], preferred_element_type=_f32) + bo_ref[...]
    lg_ref[...] = lg[:, :NCT]
    xa = jnp.concatenate([a0[:, 64:96], a1[:, 64:80]], axis=1)
    deg = xa[:, 42:43]
    xo = xp_ref[...] + xa * (1.0 / (deg + 1.0))
    xo_ref[...] = xo[:, :C * 3]


def _phase_d(S3, Xp, tabp, acc2, Wh1, Wh2, bh2, Wop, bop):
    nblk = N // BN
    full = lambda shape: pl.BlockSpec(shape, lambda i: (0,) * len(shape))
    return pl.pallas_call(
        _node_update,
        grid=(nblk,),
        in_specs=[
            pl.BlockSpec((1, 1, BN), lambda i: (i, 0, 0)),
            pl.BlockSpec((BN, CP), lambda i: (i, 0)),
            full((32, H)),
            pl.BlockSpec((NCORES, BN, 96), lambda i: (0, i, 0)),
            full((H, H)), full((H, H)), full((1, H)),
            full((H, 32)), full((1, 32)),
        ],
        out_specs=[
            pl.BlockSpec((BN, NCT), lambda i: (i, 0)),
            pl.BlockSpec((BN, C * 3), lambda i: (i, 0)),
        ],
        out_shape=[
            jax.ShapeDtypeStruct((N, NCT), _f32),
            jax.ShapeDtypeStruct((N, C * 3), _f32),
        ],
    )(S3, Xp, tabp, acc2, Wh1, Wh2, bh2, Wop, bop)


def kernel(X, S, edge_index, table, W_r, b_r, W1, b1, W2, b2,
           Wh, bh, Wx, bx, Wo, bo):
    src = edge_index[0].astype(_i32)
    dst = edge_index[1].astype(_i32)
    S32 = S.astype(_i32)
    Xp = jnp.pad(X.reshape(N, C * 3), ((0, 0), (0, CP - C * 3)))

    hp = lax.Precision.HIGHEST
    T64 = jnp.concatenate([
        jnp.pad(jnp.dot(table, W1[:D], precision=hp), ((0, 7), (0, 0))),
        jnp.pad(jnp.dot(table, W1[D:2 * D], precision=hp), ((0, 7), (0, 0)))])
    W1c = W1[2 * D:]
    Wre = jnp.pad(jnp.repeat(W_r, 3, axis=0), ((0, CP - 3 * C), (0, 0)))
    Wxp = jnp.pad(Wx, ((0, 0), (0, 2)))
    bxp = jnp.pad(bx, (0, 2)).reshape(1, 16)
    G = jnp.pad(jnp.repeat(jnp.eye(16, C, dtype=_f32), 3, axis=1),
                ((0, 0), (0, CP - 3 * C)))
    dc = jnp.zeros((1, CP), _f32).at[0, 42].set(1.0)
    Wh1, Wh2 = Wh[:D], Wh[D:]
    Wop = jnp.pad(Wo, ((0, 0), (0, 32 - NCT)))
    bop = jnp.pad(bo, (0, 32 - NCT)).reshape(1, 32)
    br2 = b_r.reshape(1, H)
    b12 = b1.reshape(1, H)
    b22 = b2.reshape(1, H)
    bh2 = bh.reshape(1, H)
    tabp = jnp.pad(table, ((0, 7), (0, 0)))

    rel, ssrc, sdst = _phase_a(Xp, S32, src, dst)
    ss3 = ssrc.reshape(E // BE, 1, BE)
    sd3 = sdst.reshape(E // BE, 1, BE)
    p = _phase_b(ss3, sd3, rel, Wre, br2, T64, W1c, b12,
                 W2, b22, Wxp, bxp, G, dc)
    acc2 = _phase_c(p, dst.reshape(E // BC, NSGC, SG))
    S3 = S32.reshape(N // BN, 1, BN)
    logits, xo42 = _phase_d(S3, Xp, tabp, acc2, Wh1, Wh2, bh2, Wop, bop)
    return (logits, xo42.reshape(N, C, 3))

# --- scband reference (transcript-rebuilt; emitter-appended) ---
"""Pipeline reference for scband-dy-meanmodel-63024350101679 (READ-ONLY COPY).

The authoritative reference and input builder live on the scoring server;
editing this copy changes nothing except your own understanding.
"""

import jax, jax.numpy as jnp
import numpy as np

N = 10000
E = 320000
C = 14
D = 128
H = 128
NC = 25


def setup_inputs(seed: int = 0) -> dict:
    key = jax.random.key(seed)
    ks = jax.random.split(key, 16)
    X = jax.random.normal(ks[0], (N, C, 3), dtype=jnp.float32)
    S = jax.random.randint(ks[1], (N,), 0, NC)
    edge_index = jax.random.randint(ks[2], (2, E), 0, N)
    table = jax.random.normal(ks[3], (NC, D), dtype=jnp.float32) * 0.02
    W_r = jax.random.normal(ks[4], (C, H), dtype=jnp.float32) * 0.05
    b_r = jnp.zeros((H,), dtype=jnp.float32)
    W1 = jax.random.normal(ks[5], (2 * D + H, H), dtype=jnp.float32) * 0.05
    b1 = jnp.zeros((H,), dtype=jnp.float32)
    W2 = jax.random.normal(ks[6], (H, H), dtype=jnp.float32) * 0.05
    b2 = jnp.zeros((H,), dtype=jnp.float32)
    Wh = jax.random.normal(ks[7], (D + H, D), dtype=jnp.float32) * 0.05
    bh = jnp.zeros((D,), dtype=jnp.float32)
    Wx = jax.random.normal(ks[8], (H, C), dtype=jnp.float32) * 0.05
    bx = jnp.zeros((C,), dtype=jnp.float32)
    Wo = jax.random.normal(ks[9], (D, NC), dtype=jnp.float32) * 0.05
    bo = jnp.zeros((NC,), dtype=jnp.float32)
    return {"X": X, "S": S, "edge_index": edge_index, "table": table,
            "W_r": W_r, "b_r": b_r, "W1": W1, "b1": b1, "W2": W2, "b2": b2,
            "Wh": Wh, "bh": bh, "Wx": Wx, "bx": bx, "Wo": Wo, "bo": bo}


def reference(X, S, edge_index, table, W_r, b_r, W1, b1, W2, b2, Wh, bh, Wx, bx, Wo, bo):
    # One round of dyMEAN-style adaptive multichannel equivariant message passing:
    # residue-type embedding lookup, per-channel radial features on edges,
    # edge message MLP, scatter-add aggregation, node update and coordinate update.
    h = table[S]  # [N, D] embedding gather
    src = edge_index[0]
    dst = edge_index[1]
    rel = X[src] - X[dst]                      # [E, C, 3] gather
    radial = jnp.sum(rel * rel, axis=-1)       # [E, C]
    r_feat = jax.nn.silu(radial @ W_r + b_r)   # [E, H]
    m_in = jnp.concatenate([h[src], h[dst], r_feat], axis=-1)
    m = jax.nn.silu(m_in @ W1 + b1)
    m = jax.nn.silu(m @ W2 + b2)               # [E, H]
    agg = jax.ops.segment_sum(m, dst, num_segments=N)  # scatter-add [N, H]
    h_out = h + jax.nn.silu(jnp.concatenate([h, agg], axis=-1) @ Wh + bh)
    coef = m @ Wx + bx                         # [E, C]
    x_agg = jax.ops.segment_sum(rel * coef[..., None], dst, num_segments=N)  # [N, C, 3]
    deg = jax.ops.segment_sum(jnp.ones((E,), dtype=jnp.float32), dst, num_segments=N)
    X_out = X + x_agg / (deg[:, None, None] + 1.0)
    logits = h_out @ Wo + bo                   # residue-type prediction head
    return (logits, X_out)

if __name__ == "__main__":
    import jax
    _d = setup_inputs()
    print(jax.jit(kernel)(*tuple(_d.values())))

</pallas_src>

<mosaic_0001>
#map = affine_map<(d0, d1) -> (0, 0)>
#map1 = affine_map<(d0, d1) -> (0)>
module attributes {stable_mosaic.version = 14 : i64} {
  func.func @body(%arg0: i32, %arg1: i32, %arg2: memref<10000x48xf32, #tpu.memory_space<hbm>>, %arg3: memref<10000xi32, #tpu.memory_space<hbm>>, %arg4: memref<320000xi32, #tpu.memory_space<hbm>>, %arg5: memref<320000xi32, #tpu.memory_space<hbm>>, %arg6: memref<320000x48xf32, #tpu.memory_space<hbm>>, %arg7: memref<320000xi32, #tpu.memory_space<hbm>>, %arg8: memref<320000xi32, #tpu.memory_space<hbm>>, %arg9: memref<10000xi32, #tpu.memory_space<vmem>>, %arg10: memref<400xi32, #tpu.memory_space<vmem>>, %arg11: memref<400xi32, #tpu.memory_space<vmem>>, %arg12: memref<400x48xf32, #tpu.memory_space<vmem>>, %arg13: memref<400x48xf32, #tpu.memory_space<vmem>>, %arg14: memref<400xi32, #tpu.memory_space<vmem>>, %arg15: memref<400xi32, #tpu.memory_space<vmem>>, %arg16: memref<!tpu.dma_semaphore, #tpu.memory_space<semaphore_mem>>, %arg17: memref<!tpu.dma_semaphore, #tpu.memory_space<semaphore_mem>>) attributes {dimension_semantics = [#tpu.dimension_semantics<core_parallel>, #tpu.dimension_semantics<subcore_parallel>], iteration_bounds = array<i64: 2, 16>, scalar_prefetch = 0 : i64, scratch_operands = 9 : i64, tpu.core_type = #tpu.core_type<sc_vector_subcore>, window_params = [{transform_indices = #map}, {transform_indices = #map1}, {transform_indices = #map1}, {transform_indices = #map1}, {transform_indices = #map}, {transform_indices = #map1}, {transform_indices = #map1}]} {
    %mul3A = arith.constant 2 : i32
    %mul3A_0 = arith.muli %arg1, %mul3A : i32
    %add3A = arith.addi %mul3A_0, %arg0 : i32
    %mul3A_1 = arith.constant 10000 : i32
    %mul3A_2 = arith.muli %add3A, %mul3A_1 : i32
    "tpu.region"() ({
      %run_scoped3A = tpu.sem_alloc : memref<!tpu.dma_semaphore, #tpu.memory_space<semaphore_mem>>
      tpu.enqueue_dma source(%arg3 : memref<10000xi32, #tpu.memory_space<hbm>>) target(%arg9 : memref<10000xi32, #tpu.memory_space<vmem>>) target_semaphore(%run_scoped3A : memref<!tpu.dma_semaphore, #tpu.memory_space<semaphore_mem>>)
      tpu.wait_dma2 semaphore(%run_scoped3A : memref<!tpu.dma_semaphore, #tpu.memory_space<semaphore_mem>>) src(%arg3 : memref<10000xi32, #tpu.memory_space<hbm>>) dst(%arg9 : memref<10000xi32, #tpu.memory_space<vmem>>)
      tpu.yield
    }) : () -> ()
    %scan3A = arith.constant 0 : i32
    %scan3A_3 = arith.constant 0 : i32
    %scan3A_4 = arith.constant 25 : i32
    %scan3A_5 = arith.addi %scan3A_3, %scan3A_4 : i32
    %scan3A_6 = arith.constant 1 : i32
    scf.for %scan3A_8 = %scan3A_3 to %scan3A_5 step %scan3A_6  : i32 {
      %mul3A_9 = arith.constant 400 : i32
      %mul3A_10 = arith.muli %scan3A_8, %mul3A_9 : i32
      %add3A_11 = arith.addi %mul3A_2, %mul3A_10 : i32
      "tpu.region"() ({
        %run_scoped3A = tpu.sem_alloc : memref<!tpu.dma_semaphore, #tpu.memory_space<semaphore_mem>>
        %dma_start3A_182 = tpu.memref_slice %arg4[%add3A_11] : memref<320000xi32, #tpu.memory_space<hbm>> -> memref<400xi32, #tpu.memory_space<hbm>>
        %dma_start3A_183 = tpu.memref_slice %arg4[%add3A_11] : memref<320000xi32, #tpu.memory_space<hbm>> -> memref<400xi32, #tpu.memory_space<hbm>>
        tpu.enqueue_dma source(%dma_start3A_183 : memref<400xi32, #tpu.memory_space<hbm>>) target(%arg10 : memref<400xi32, #tpu.memory_space<vmem>>) target_semaphore(%run_scoped3A : memref<!tpu.dma_semaphore, #tpu.memory_space<semaphore_mem>>)
        %dma_wait3A_184 = tpu.memref_slice %arg4[%add3A_11] : memref<320000xi32, #tpu.memory_space<hbm>> -> memref<400xi32, #tpu.memory_space<hbm>>
        %dma_wait3A_185 = tpu.memref_slice %arg4[%add3A_11] : memref<320000xi32, #tpu.memory_space<hbm>> -> memref<400xi32, #tpu.memory_space<hbm>>
        tpu.wait_dma2 semaphore(%run_scoped3A : memref<!tpu.dma_semaphore, #tpu.memory_space<semaphore_mem>>) src(%dma_wait3A_185 : memref<400xi32, #tpu.memory_space<hbm>>) dst(%arg10 : memref<400xi32, #tpu.memory_space<vmem>>)
        tpu.yield
      }) : () -> ()
      "tpu.region"() ({
        %run_scoped3A = tpu.sem_alloc : memref<!tpu.dma_semaphore, #tpu.memory_space<semaphore_mem>>
        %dma_start3A_182 = tpu.memref_slice %arg5[%add3A_11] : memref<320000xi32, #tpu.memory_space<hbm>> -> memref<400xi32, #tpu.memory_space<hbm>>
        %dma_start3A_183 = tpu.memref_slice %arg5[%add3A_11] : memref<320000xi32, #tpu.memory_space<hbm>> -> memref<400xi32, #tpu.memory_space<hbm>>
        tpu.enqueue_dma source(%dma_start3A_183 : memref<400xi32, #tpu.memory_space<hbm>>) target(%arg11 : memref<400xi32, #tpu.memory_space<vmem>>) target_semaphore(%run_scoped3A : memref<!tpu.dma_semaphore, #tpu.memory_space<semaphore_mem>>)
        %dma_wait3A_184 = tpu.memref_slice %arg5[%add3A_11] : memref<320000xi32, #tpu.memory_space<hbm>> -> memref<400xi32, #tpu.memory_space<hbm>>
        %dma_wait3A_185 = tpu.memref_slice %arg5[%add3A_11] : memref<320000xi32, #tpu.memory_space<hbm>> -> memref<400xi32, #tpu.memory_space<hbm>>
        tpu.wait_dma2 semaphore(%run_scoped3A : memref<!tpu.dma_semaphore, #tpu.memory_space<semaphore_mem>>) src(%dma_wait3A_185 : memref<400xi32, #tpu.memory_space<hbm>>) dst(%arg11 : memref<400xi32, #tpu.memory_space<vmem>>)
        tpu.yield
      }) : () -> ()
      %dma_start3A = arith.constant 0 : i32
      %dma_start3A_12 = arith.constant 0 : i32
      %dma_start3A_13 = tpu.memref_slice %arg12[%dma_start3A, %dma_start3A_12] : memref<400x48xf32, #tpu.memory_space<vmem>> -> memref<80x48xf32, #tpu.memory_space<vmem>>
      %dma_start3A_14 = arith.constant 0 : i32
      %dma_start3A_15 = tpu.memref_slice %arg10[%dma_start3A_14] : memref<400xi32, #tpu.memory_space<vmem>> -> memref<80xi32, #tpu.memory_space<vmem>>
      %dma_start3A_16 = arith.constant 0 : i32
      %dma_start3A_17 = arith.constant 0 : i32
      %dma_start3A_18 = tpu.memref_slice %arg2[%dma_start3A_16, %dma_start3A_17] : memref<10000x48xf32, #tpu.memory_space<hbm>> -> memref<10000x48xf32, #tpu.memory_space<hbm>>
      tpu.enqueue_indirect_dma source(%dma_start3A_18 : memref<10000x48xf32, #tpu.memory_space<hbm>>) target(%dma_start3A_13 : memref<80x48xf32, #tpu.memory_space<vmem>>) offsets(%dma_start3A_15 : memref<80xi32, #tpu.memory_space<vmem>>) semaphore(%arg16 : memref<!tpu.dma_semaphore, #tpu.memory_space<semaphore_mem>>)
      %dma_start3A_19 = arith.constant 0 : i32
      %dma_start3A_20 = arith.constant 0 : i32
      %dma_start3A_21 = tpu.memref_slice %arg13[%dma_start3A_19, %dma_start3A_20] : memref<400x48xf32, #tpu.memory_space<vmem>> -> memref<80x48xf32, #tpu.memory_space<vmem>>
      %dma_start3A_22 = arith.constant 0 : i32
      %dma_start3A_23 = tpu.memref_slice %arg11[%dma_start3A_22] : memref<400xi32, #tpu.memory_space<vmem>> -> memref<80xi32, #tpu.memory_space<vmem>>
      %dma_start3A_24 = arith.constant 0 : i32
      %dma_start3A_25 = arith.constant 0 : i32
      %dma_start3A_26 = tpu.memref_slice %arg2[%dma_start3A_24, %dma_start3A_25] : memref<10000x48xf32, #tpu.memory_space<hbm>> -> memref<10000x48xf32, #tpu.memory_space<hbm>>
      tpu.enqueue_indirect_dma source(%dma_start3A_26 : memref<10000x48xf32, #tpu.memory_space<hbm>>) target(%dma_start3A_21 : memref<80x48xf32, #tpu.memory_space<vmem>>) offsets(%dma_start3A_23 : memref<80xi32, #tpu.memory_space<vmem>>) semaphore(%arg17 : memref<!tpu.dma_semaphore, #tpu.memory_space<semaphore_mem>>)
      %dma_start3A_27 = arith.constant 80 : i32
      %dma_start3A_28 = arith.constant 0 : i32
      %dma_start3A_29 = tpu.memref_slice %arg12[%dma_start3A_27, %dma_start3A_28] : memref<400x48xf32, #tpu.memory_space<vmem>> -> memref<80x48xf32, #tpu.memory_space<vmem>>
      %dma_start3A_30 = arith.constant 80 : i32
      %dma_start3A_31 = tpu.memref_slice %arg10[%dma_start3A_30] : memref<400xi32, #tpu.memory_space<vmem>> -> memref<80xi32, #tpu.memory_space<vmem>>
      %dma_start3A_32 = arith.constant 0 : i32
      %dma_start3A_33 = arith.constant 0 : i32
      %dma_start3A_34 = tpu.memref_slice %arg2[%dma_start3A_32, %dma_start3A_33] : memref<10000x48xf32, #tpu.memory_space<hbm>> -> memref<10000x48xf32, #tpu.memory_space<hbm>>
      tpu.enqueue_indirect_dma source(%dma_start3A_34 : memref<10000x48xf32, #tpu.memory_space<hbm>>) target(%dma_start3A_29 : memref<80x48xf32, #tpu.memory_space<vmem>>) offsets(%dma_start3A_31 : memref<80xi32, #tpu.memory_space<vmem>>) semaphore(%arg16 : memref<!tpu.dma_semaphore, #tpu.memory_space<semaphore_mem>>)
      %dma_start3A_35 = arith.constant 80 : i32
      %dma_start3A_36 = arith.constant 0 : i32
      %dma_start3A_37 = tpu.memref_slice %arg13[%dma_start3A_35, %dma_start3A_36] : memref<400x48xf32, #tpu.memory_space<vmem>> -> memref<80x48xf32, #tpu.memory_space<vmem>>
      %dma_start3A_38 = arith.constant 80 : i32
      %dma_start3A_39 = tpu.memref_slice %arg11[%dma_start3A_38] : memref<400xi32, #tpu.memory_space<vmem>> -> memref<80xi32, #tpu.memory_space<vmem>>
      %dma_start3A_40 = arith.constant 0 : i32
      %dma_start3A_41 = arith.constant 0 : i32
      %dma_start3A_42 = tpu.memref_slice %arg2[%dma_start3A_40, %dma_start3A_41] : memref<10000x48xf32, #tpu.memory_space<hbm>> -> memref<10000x48xf32, #tpu.memory_space<hbm>>
      tpu.enqueue_indirect_dma source(%dma_start3A_42 : memref<10000x48xf32, #tpu.memory_space<hbm>>) target(%dma_start3A_37 : memref<80x48xf32, #tpu.memory_space<vmem>>) offsets(%dma_start3A_39 : memref<80xi32, #tpu.memory_space<vmem>>) semaphore(%arg17 : memref<!tpu.dma_semaphore, #tpu.memory_space<semaphore_mem>>)
      %dma_start3A_43 = arith.constant 160 : i32
      %dma_start3A_44 = arith.constant 0 : i32
      %dma_start3A_45 = tpu.memref_slice %arg12[%dma_start3A_43, %dma_start3A_44] : memref<400x48xf32, #tpu.memory_space<vmem>> -> memref<80x48xf32, #tpu.memory_space<vmem>>
      %dma_start3A_46 = arith.constant 160 : i32
      %dma_start3A_47 = tpu.memref_slice %arg10[%dma_start3A_46] : memref<400xi32, #tpu.memory_space<vmem>> -> memref<80xi32, #tpu.memory_space<vmem>>
      %dma_start3A_48 = arith.constant 0 : i32
      %dma_start3A_49 = arith.constant 0 : i32
      %dma_start3A_50 = tpu.memref_slice %arg2[%dma_start3A_48, %dma_start3A_49] : memref<10000x48xf32, #tpu.memory_space<hbm>> -> memref<10000x48xf32, #tpu.memory_space<hbm>>
      tpu.enqueue_indirect_dma source(%dma_start3A_50 : memref<10000x48xf32, #tpu.memory_space<hbm>>) target(%dma_start3A_45 : memref<80x48xf32, #tpu.memory_space<vmem>>) offsets(%dma_start3A_47 : memref<80xi32, #tpu.memory_space<vmem>>) semaphore(%arg16 : memref<!tpu.dma_semaphore, #tpu.memory_space<semaphore_mem>>)
      %dma_start3A_51 = arith.constant 160 : i32
      %dma_start3A_52 = arith.constant 0 : i32
      %dma_start3A_53 = tpu.memref_slice %arg13[%dma_start3A_51, %dma_start3A_52] : memref<400x48xf32, #tpu.memory_space<vmem>> -> memref<80x48xf32, #tpu.memory_space<vmem>>
      %dma_start3A_54 = arith.constant 160 : i32
      %dma_start3A_55 = tpu.memref_slice %arg11[%dma_start3A_54] : memref<400xi32, #tpu.memory_space<vmem>> -> memref<80xi32, #tpu.memory_space<vmem>>
      %dma_start3A_56 = arith.constant 0 : i32
      %dma_start3A_57 = arith.constant 0 : i32
      %dma_start3A_58 = tpu.memref_slice %arg2[%dma_start3A_56, %dma_start3A_57] : memref<10000x48xf32, #tpu.memory_space<hbm>> -> memref<10000x48xf32, #tpu.memory_space<hbm>>
      tpu.enqueue_indirect_dma source(%dma_start3A_58 : memref<10000x48xf32, #tpu.memory_space<hbm>>) target(%dma_start3A_53 : memref<80x48xf32, #tpu.memory_space<vmem>>) offsets(%dma_start3A_55 : memref<80xi32, #tpu.memory_space<vmem>>) semaphore(%arg17 : memref<!tpu.dma_semaphore, #tpu.memory_space<semaphore_mem>>)
      %dma_start3A_59 = arith.constant 240 : i32
      %dma_start3A_60 = arith.constant 0 : i32
      %dma_start3A_61 = tpu.memref_slice %arg12[%dma_start3A_59, %dma_start3A_60] : memref<400x48xf32, #tpu.memory_space<vmem>> -> memref<80x48xf32, #tpu.memory_space<vmem>>
      %dma_start3A_62 = arith.constant 240 : i32
      %dma_start3A_63 = tpu.memref_slice %arg10[%dma_start3A_62] : memref<400xi32, #tpu.memory_space<vmem>> -> memref<80xi32, #tpu.memory_space<vmem>>
      %dma_start3A_64 = arith.constant 0 : i32
      %dma_start3A_65 = arith.constant 0 : i32
      %dma_start3A_66 = tpu.memref_slice %arg2[%dma_start3A_64, %dma_start3A_65] : memref<10000x48xf32, #tpu.memory_space<hbm>> -> memref<10000x48xf32, #tpu.memory_space<hbm>>
      tpu.enqueue_indirect_dma source(%dma_start3A_66 : memref<10000x48xf32, #tpu.memory_space<hbm>>) target(%dma_start3A_61 : memref<80x48xf32, #tpu.memory_space<vmem>>) offsets(%dma_start3A_63 : memref<80xi32, #tpu.memory_space<vmem>>) semaphore(%arg16 : memref<!tpu.dma_semaphore, #tpu.memory_space<semaphore_mem>>)
      %dma_start3A_67 = arith.constant 240 : i32
      %dma_start3A_68 = arith.constant 0 : i32
      %dma_start3A_69 = tpu.memref_slice %arg13[%dma_start3A_67, %dma_start3A_68] : memref<400x48xf32, #tpu.memory_space<vmem>> -> memref<80x48xf32, #tpu.memory_space<vmem>>
      %dma_start3A_70 = arith.constant 240 : i32
      %dma_start3A_71 = tpu.memref_slice %arg11[%dma_start3A_70] : memref<400xi32, #tpu.memory_space<vmem>> -> memref<80xi32, #tpu.memory_space<vmem>>
      %dma_start3A_72 = arith.constant 0 : i32
      %dma_start3A_73 = arith.constant 0 : i32
      %dma_start3A_74 = tpu.memref_slice %arg2[%dma_start3A_72, %dma_start3A_73] : memref<10000x48xf32, #tpu.memory_space<hbm>> -> memref<10000x48xf32, #tpu.memory_space<hbm>>
      tpu.enqueue_indirect_dma source(%dma_start3A_74 : memref<10000x48xf32, #tpu.memory_space<hbm>>) target(%dma_start3A_69 : memref<80x48xf32, #tpu.memory_space<vmem>>) offsets(%dma_start3A_71 : memref<80xi32, #tpu.memory_space<vmem>>) semaphore(%arg17 : memref<!tpu.dma_semaphore, #tpu.memory_space<semaphore_mem>>)
      %dma_start3A_75 = arith.constant 320 : i32
      %dma_start3A_76 = arith.constant 0 : i32
      %dma_start3A_77 = tpu.memref_slice %arg12[%dma_start3A_75, %dma_start3A_76] : memref<400x48xf32, #tpu.memory_space<vmem>> -> memref<80x48xf32, #tpu.memory_space<vmem>>
      %dma_start3A_78 = arith.constant 320 : i32
      %dma_start3A_79 = tpu.memref_slice %arg10[%dma_start3A_78] : memref<400xi32, #tpu.memory_space<vmem>> -> memref<80xi32, #tpu.memory_space<vmem>>
      %dma_start3A_80 = arith.constant 0 : i32
      %dma_start3A_81 = arith.constant 0 : i32
      %dma_start3A_82 = tpu.memref_slice %arg2[%dma_start3A_80, %dma_start3A_81] : memref<10000x48xf32, #tpu.memory_space<hbm>> -> memref<10000x48xf32, #tpu.memory_space<hbm>>
      tpu.enqueue_indirect_dma source(%dma_start3A_82 : memref<10000x48xf32, #tpu.memory_space<hbm>>) target(%dma_start3A_77 : memref<80x48xf32, #tpu.memory_space<vmem>>) offsets(%dma_start3A_79 : memref<80xi32, #tpu.memory_space<vmem>>) semaphore(%arg16 : memref<!tpu.dma_semaphore, #tpu.memory_space<semaphore_mem>>)
      %dma_start3A_83 = arith.constant 320 : i32
      %dma_start3A_84 = arith.constant 0 : i32
      %dma_start3A_85 = tpu.memref_slice %arg13[%dma_start3A_83, %dma_start3A_84] : memref<400x48xf32, #tpu.memory_space<vmem>> -> memref<80x48xf32, #tpu.memory_space<vmem>>
      %dma_start3A_86 = arith.constant 320 : i32
      %dma_start3A_87 = tpu.memref_slice %arg11[%dma_start3A_86] : memref<400xi32, #tpu.memory_space<vmem>> -> memref<80xi32, #tpu.memory_space<vmem>>
      %dma_start3A_88 = arith.constant 0 : i32
      %dma_start3A_89 = arith.constant 0 : i32
      %dma_start3A_90 = tpu.memref_slice %arg2[%dma_start3A_88, %dma_start3A_89] : memref<10000x48xf32, #tpu.memory_space<hbm>> -> memref<10000x48xf32, #tpu.memory_space<hbm>>
      tpu.enqueue_indirect_dma source(%dma_start3A_90 : memref<10000x48xf32, #tpu.memory_space<hbm>>) target(%dma_start3A_85 : memref<80x48xf32, #tpu.memory_space<vmem>>) offsets(%dma_start3A_87 : memref<80xi32, #tpu.memory_space<vmem>>) semaphore(%arg17 : memref<!tpu.dma_semaphore, #tpu.memory_space<semaphore_mem>>)
      %scan3A_91 = arith.constant 0 : i32
      %scan3A_92 = arith.constant 0 : i32
      %scan3A_93 = arith.constant 25 : i32
      %scan3A_94 = arith.addi %scan3A_92, %scan3A_93 : i32
      %scan3A_95 = arith.constant 1 : i32
      scf.for %scan3A_182 = %scan3A_92 to %scan3A_94 step %scan3A_95  : i32 {
        %mul3A_183 = arith.constant 16 : i32
        %mul3A_184 = arith.muli %scan3A_182, %mul3A_183 : i32
        %get3A = arith.index_cast %mul3A_184 : i32 to index
        %get3A_185 = tpu.vector_load %arg10[%get3A] {strides = array<i32>} : memref<400xi32, #tpu.memory_space<vmem>>, vector<16xi32>,
        %gather3A = tpu.vector_load_idx %arg9[%get3A_185] : memref<10000xi32, #tpu.memory_space<vmem>>[vector<16xi32>], vector<16xi32>,
        %swap3A = arith.index_cast %mul3A_184 : i32 to index
        %swap3A_186 = tpu.vector_load %arg14[%swap3A] {strides = array<i32>} : memref<400xi32, #tpu.memory_space<vmem>>, vector<16xi32>,
        tpu.vector_store %arg14[%swap3A], %gather3A {strides = array<i32>} : memref<400xi32, #tpu.memory_space<vmem>>, vector<16xi32>,
        %get3A_187 = arith.index_cast %mul3A_184 : i32 to index
        %get3A_188 = tpu.vector_load %arg11[%get3A_187] {strides = array<i32>} : memref<400xi32, #tpu.memory_space<vmem>>, vector<16xi32>,
        %gather3A_189 = tpu.vector_load_idx %arg9[%get3A_188] : memref<10000xi32, #tpu.memory_space<vmem>>[vector<16xi32>], vector<16xi32>,
        %swap3A_190 = arith.index_cast %mul3A_184 : i32 to index
        %swap3A_191 = tpu.vector_load %arg15[%swap3A_190] {strides = array<i32>} : memref<400xi32, #tpu.memory_space<vmem>>, vector<16xi32>,
        tpu.vector_store %arg15[%swap3A_190], %gather3A_189 {strides = array<i32>} : memref<400xi32, #tpu.memory_space<vmem>>, vector<16xi32>,
      }
      %scan3A_96 = arith.constant 25 : i32
      %dma_wait3A = arith.constant 0 : i32
      %dma_wait3A_97 = arith.constant 0 : i32
      %dma_wait3A_98 = tpu.memref_slice %arg12[%dma_wait3A, %dma_wait3A_97] : memref<400x48xf32, #tpu.memory_space<vmem>> -> memref<80x48xf32, #tpu.memory_space<vmem>>
      %dma_wait3A_99 = arith.constant 0 : i32
      %dma_wait3A_100 = tpu.memref_slice %arg10[%dma_wait3A_99] : memref<400xi32, #tpu.memory_space<vmem>> -> memref<80xi32, #tpu.memory_space<vmem>>
      %dma_wait3A_101 = arith.constant 0 : i32
      %dma_wait3A_102 = arith.constant 0 : i32
      %dma_wait3A_103 = tpu.memref_slice %arg2[%dma_wait3A_101, %dma_wait3A_102] : memref<10000x48xf32, #tpu.memory_space<hbm>> -> memref<10000x48xf32, #tpu.memory_space<hbm>>
      tpu.wait_indirect_dma semaphore(%arg16 : memref<!tpu.dma_semaphore, #tpu.memory_space<semaphore_mem>>) src(%dma_wait3A_103 : memref<10000x48xf32, #tpu.memory_space<hbm>>) dst(%dma_wait3A_98 : memref<80x48xf32, #tpu.memory_space<vmem>>)
      %dma_wait3A_104 = arith.constant 0 : i32
      %dma_wait3A_105 = arith.constant 0 : i32
      %dma_wait3A_106 = tpu.memref_slice %arg13[%dma_wait3A_104, %dma_wait3A_105] : memref<400x48xf32, #tpu.memory_space<vmem>> -> memref<80x48xf32, #tpu.memory_space<vmem>>
      %dma_wait3A_107 = arith.constant 0 : i32
      %dma_wait3A_108 = tpu.memref_slice %arg11[%dma_wait3A_107] : memref<400xi32, #tpu.memory_space<vmem>> -> memref<80xi32, #tpu.memory_space<vmem>>
      %dma_wait3A_109 = arith.constant 0 : i32
      %dma_wait3A_110 = arith.constant 0 : i32
      %dma_wait3A_111 = tpu.memref_slice %arg2[%dma_wait3A_109, %dma_wait3A_110] : memref<10000x48xf32, #tpu.memory_space<hbm>> -> memref<10000x48xf32, #tpu.memory_space<hbm>>
      tpu.wait_indirect_dma semaphore(%arg17 : memref<!tpu.dma_semaphore, #tpu.memory_space<semaphore_mem>>) src(%dma_wait3A_111 : memref<10000x48xf32, #tpu.memory_space<hbm>>) dst(%dma_wait3A_106 : memref<80x48xf32, #tpu.memory_space<vmem>>)
      %dma_wait3A_112 = arith.constant 80 : i32
      %dma_wait3A_113 = arith.constant 0 : i32
      %dma_wait3A_114 = tpu.memref_slice %arg12[%dma_wait3A_112, %dma_wait3A_113] : memref<400x48xf32, #tpu.memory_space<vmem>> -> memref<80x48xf32, #tpu.memory_space<vmem>>
      %dma_wait3A_115 = arith.constant 80 : i32
      %dma_wait3A_116 = tpu.memref_slice %arg10[%dma_wait3A_115] : memref<400xi32, #tpu.memory_space<vmem>> -> memref<80xi32, #tpu.memory_space<vmem>>
      %dma_wait3A_117 = arith.constant 0 : i32
      %dma_wait3A_118 = arith.constant 0 : i32
      %dma_wait3A_119 = tpu.memref_slice %arg2[%dma_wait3A_117, %dma_wait3A_118] : memref<10000x48xf32, #tpu.memory_space<hbm>> -> memref<10000x48xf32, #tpu.memory_space<hbm>>
      tpu.wait_indirect_dma semaphore(%arg16 : memref<!tpu.dma_semaphore, #tpu.memory_space<semaphore_mem>>) src(%dma_wait3A_119 : memref<10000x48xf32, #tpu.memory_space<hbm>>) dst(%dma_wait3A_114 : memref<80x48xf32, #tpu.memory_space<vmem>>)
      %dma_wait3A_120 = arith.constant 80 : i32
      %dma_wait3A_121 = arith.constant 0 : i32
      %dma_wait3A_122 = tpu.memref_slice %arg13[%dma_wait3A_120, %dma_wait3A_121] : memref<400x48xf32, #tpu.memory_space<vmem>> -> memref<80x48xf32, #tpu.memory_space<vmem>>
      %dma_wait3A_123 = arith.constant 80 : i32
      %dma_wait3A_124 = tpu.memref_slice %arg11[%dma_wait3A_123] : memref<400xi32, #tpu.memory_space<vmem>> -> memref<80xi32, #tpu.memory_space<vmem>>
      %dma_wait3A_125 = arith.constant 0 : i32
      %dma_wait3A_126 = arith.constant 0 : i32
      %dma_wait3A_127 = tpu.memref_slice %arg2[%dma_wait3A_125, %dma_wait3A_126] : memref<10000x48xf32, #tpu.memory_space<hbm>> -> memref<10000x48xf32, #tpu.memory_space<hbm>>
      tpu.wait_indirect_dma semaphore(%arg17 : memref<!tpu.dma_semaphore, #tpu.memory_space<semaphore_mem>>) src(%dma_wait3A_127 : memref<10000x48xf32, #tpu.memory_space<hbm>>) dst(%dma_wait3A_122 : memref<80x48xf32, #tpu.memory_space<vmem>>)
      %dma_wait3A_128 = arith.constant 160 : i32
      %dma_wait3A_129 = arith.constant 0 : i32
      %dma_wait3A_130 = tpu.memref_slice %arg12[%dma_wait3A_128, %dma_wait3A_129] : memref<400x48xf32, #tpu.memory_space<vmem>> -> memref<80x48xf32, #tpu.memory_space<vmem>>
      %dma_wait3A_131 = arith.constant 160 : i32
      %dma_wait3A_132 = tpu.memref_slice %arg10[%dma_wait3A_131] : memref<400xi32, #tpu.memory_space<vmem>> -> memref<80xi32, #tpu.memory_space<vmem>>
      %dma_wait3A_133 = arith.constant 0 : i32
      %dma_wait3A_134 = arith.constant 0 : i32
      %dma_wait3A_135 = tpu.memref_slice %arg2[%dma_wait3A_133, %dma_wait3A_134] : memref<10000x48xf32, #tpu.memory_space<hbm>> -> memref<10000x48xf32, #tpu.memory_space<hbm>>
      tpu.wait_indirect_dma semaphore(%arg16 : memref<!tpu.dma_semaphore, #tpu.memory_space<semaphore_mem>>) src(%dma_wait3A_135 : memref<10000x48xf32, #tpu.memory_space<hbm>>) dst(%dma_wait3A_130 : memref<80x48xf32, #tpu.memory_space<vmem>>)
      %dma_wait3A_136 = arith.constant 160 : i32
      %dma_wait3A_137 = arith.constant 0 : i32
      %dma_wait3A_138 = tpu.memref_slice %arg13[%dma_wait3A_136, %dma_wait3A_137] : memref<400x48xf32, #tpu.memory_space<vmem>> -> memref<80x48xf32, #tpu.memory_space<vmem>>
      %dma_wait3A_139 = arith.constant 160 : i32
      %dma_wait3A_140 = tpu.memref_slice %arg11[%dma_wait3A_139] : memref<400xi32, #tpu.memory_space<vmem>> -> memref<80xi32, #tpu.memory_space<vmem>>
      %dma_wait3A_141 = arith.constant 0 : i32
      %dma_wait3A_142 = arith.constant 0 : i32
      %dma_wait3A_143 = tpu.memref_slice %arg2[%dma_wait3A_141, %dma_wait3A_142] : memref<10000x48xf32, #tpu.memory_space<hbm>> -> memref<10000x48xf32, #tpu.memory_space<hbm>>
      tpu.wait_indirect_dma semaphore(%arg17 : memref<!tpu.dma_semaphore, #tpu.memory_space<semaphore_mem>>) src(%dma_wait3A_143 : memref<10000x48xf32, #tpu.memory_space<hbm>>) dst(%dma_wait3A_138 : memref<80x48xf32, #tpu.memory_space<vmem>>)
      %dma_wait3A_144 = arith.constant 240 : i32
      %dma_wait3A_145 = arith.constant 0 : i32
      %dma_wait3A_146 = tpu.memref_slice %arg12[%dma_wait3A_144, %dma_wait3A_145] : memref<400x48xf32, #tpu.memory_space<vmem>> -> memref<80x48xf32, #tpu.memory_space<vmem>>
      %dma_wait3A_147 = arith.constant 240 : i32
      %dma_wait3A_148 = tpu.memref_slice %arg10[%dma_wait3A_147] : memref<400xi32, #tpu.memory_space<vmem>> -> memref<80xi32, #tpu.memory_space<vmem>>
      %dma_wait3A_149 = arith.constant 0 : i32
      %dma_wait3A_150 = arith.constant 0 : i32
      %dma_wait3A_151 = tpu.memref_slice %arg2[%dma_wait3A_149, %dma_wait3A_150] : memref<10000x48xf32, #tpu.memory_space<hbm>> -> memref<10000x48xf32, #tpu.memory_space<hbm>>
      tpu.wait_indirect_dma semaphore(%arg16 : memref<!tpu.dma_semaphore, #tpu.memory_space<semaphore_mem>>) src(%dma_wait3A_151 : memref<10000x48xf32, #tpu.memory_space<hbm>>) dst(%dma_wait3A_146 : memref<80x48xf32, #tpu.memory_space<vmem>>)
      %dma_wait3A_152 = arith.constant 240 : i32
      %dma_wait3A_153 = arith.constant 0 : i32
      %dma_wait3A_154 = tpu.memref_slice %arg13[%dma_wait3A_152, %dma_wait3A_153] : memref<400x48xf32, #tpu.memory_space<vmem>> -> memref<80x48xf32, #tpu.memory_space<vmem>>
      %dma_wait3A_155 = arith.constant 240 : i32
      %dma_wait3A_156 = tpu.memref_slice %arg11[%dma_wait3A_155] : memref<400xi32, #tpu.memory_space<vmem>> -> memref<80xi32, #tpu.memory_space<vmem>>
      %dma_wait3A_157 = arith.constant 0 : i32
      %dma_wait3A_158 = arith.constant 0 : i32
      %dma_wait3A_159 = tpu.memref_slice %arg2[%dma_wait3A_157, %dma_wait3A_158] : memref<10000x48xf32, #tpu.memory_space<hbm>> -> memref<10000x48xf32, #tpu.memory_space<hbm>>
      tpu.wait_indirect_dma semaphore(%arg17 : memref<!tpu.dma_semaphore, #tpu.memory_space<semaphore_mem>>) src(%dma_wait3A_159 : memref<10000x48xf32, #tpu.memory_space<hbm>>) dst(%dma_wait3A_154 : memref<80x48xf32, #tpu.memory_space<vmem>>)
      %dma_wait3A_160 = arith.constant 320 : i32
      %dma_wait3A_161 = arith.constant 0 : i32
      %dma_wait3A_162 = tpu.memref_slice %arg12[%dma_wait3A_160, %dma_wait3A_161] : memref<400x48xf32, #tpu.memory_space<vmem>> -> memref<80x48xf32, #tpu.memory_space<vmem>>
      %dma_wait3A_163 = arith.constant 320 : i32
      %dma_wait3A_164 = tpu.memref_slice %arg10[%dma_wait3A_163] : memref<400xi32, #tpu.memory_space<vmem>> -> memref<80xi32, #tpu.memory_space<vmem>>
      %dma_wait3A_165 = arith.constant 0 : i32
      %dma_wait3A_166 = arith.constant 0 : i32
      %dma_wait3A_167 = tpu.memref_slice %arg2[%dma_wait3A_165, %dma_wait3A_166] : memref<10000x48xf32, #tpu.memory_space<hbm>> -> memref<10000x48xf32, #tpu.memory_space<hbm>>
      tpu.wait_indirect_dma semaphore(%arg16 : memref<!tpu.dma_semaphore, #tpu.memory_space<semaphore_mem>>) src(%dma_wait3A_167 : memref<10000x48xf32, #tpu.memory_space<hbm>>) dst(%dma_wait3A_162 : memref<80x48xf32, #tpu.memory_space<vmem>>)
      %dma_wait3A_168 = arith.constant 320 : i32
      %dma_wait3A_169 = arith.constant 0 : i32
      %dma_wait3A_170 = tpu.memref_slice %arg13[%dma_wait3A_168, %dma_wait3A_169] : memref<400x48xf32, #tpu.memory_space<vmem>> -> memref<80x48xf32, #tpu.memory_space<vmem>>
      %dma_wait3A_171 = arith.constant 320 : i32
      %dma_wait3A_172 = tpu.memref_slice %arg11[%dma_wait3A_171] : memref<400xi32, #tpu.memory_space<vmem>> -> memref<80xi32, #tpu.memory_space<vmem>>
      %dma_wait3A_173 = arith.constant 0 : i32
      %dma_wait3A_174 = arith.constant 0 : i32
      %dma_wait3A_175 = tpu.memref_slice %arg2[%dma_wait3A_173, %dma_wait3A_174] : memref<10000x48xf32, #tpu.memory_space<hbm>> -> memref<10000x48xf32, #tpu.memory_space<hbm>>
      tpu.wait_indirect_dma semaphore(%arg17 : memref<!tpu.dma_semaphore, #tpu.memory_space<semaphore_mem>>) src(%dma_wait3A_175 : memref<10000x48xf32, #tpu.memory_space<hbm>>) dst(%dma_wait3A_170 : memref<80x48xf32, #tpu.memory_space<vmem>>)
      %scan3A_176 = arith.constant 0 : i32
      %scan3A_177 = arith.constant 0 : i32
      %scan3A_178 = arith.constant 400 : i32
      %scan3A_179 = arith.addi %scan3A_177, %scan3A_178 : i32
      %scan3A_180 = arith.constant 1 : i32
      scf.for %scan3A_182 = %scan3A_177 to %scan3A_179 step %scan3A_180  : i32 {
        %get3A = arith.index_cast %scan3A_182 : i32 to index
        %get3A_183 = arith.constant 0 : index
        %get3A_184 = tpu.vector_load %arg12[%get3A, %get3A_183] {strides = array<i32>} : memref<400x48xf32, #tpu.memory_space<vmem>>, vector<16xf32>,
        %get3A_185 = arith.index_cast %scan3A_182 : i32 to index
        %get3A_186 = arith.constant 0 : index
        %get3A_187 = tpu.vector_load %arg13[%get3A_185, %get3A_186] {strides = array<i32>} : memref<400x48xf32, #tpu.memory_space<vmem>>, vector<16xf32>,
        %sub3A = arith.subf %get3A_184, %get3A_187 : vector<16xf32>
        %swap3A = arith.index_cast %scan3A_182 : i32 to index
        %swap3A_188 = arith.constant 0 : index
        %swap3A_189 = tpu.vector_load %arg12[%swap3A, %swap3A_188] {strides = array<i32>} : memref<400x48xf32, #tpu.memory_space<vmem>>, vector<16xf32>,
        tpu.vector_store %arg12[%swap3A, %swap3A_188], %sub3A {strides = array<i32>} : memref<400x48xf32, #tpu.memory_space<vmem>>, vector<16xf32>,
        %get3A_190 = arith.index_cast %scan3A_182 : i32 to index
        %get3A_191 = arith.constant 16 : index
        %get3A_192 = tpu.vector_load %arg12[%get3A_190, %get3A_191] {strides = array<i32>} : memref<400x48xf32, #tpu.memory_space<vmem>>, vector<16xf32>,
        %get3A_193 = arith.index_cast %scan3A_182 : i32 to index
        %get3A_194 = arith.constant 16 : index
        %get3A_195 = tpu.vector_load %arg13[%get3A_193, %get3A_194] {strides = array<i32>} : memref<400x48xf32, #tpu.memory_space<vmem>>, vector<16xf32>,
        %sub3A_196 = arith.subf %get3A_192, %get3A_195 : vector<16xf32>
        %swap3A_197 = arith.index_cast %scan3A_182 : i32 to index
        %swap3A_198 = arith.constant 16 : index
        %swap3A_199 = tpu.vector_load %arg12[%swap3A_197, %swap3A_198] {strides = array<i32>} : memref<400x48xf32, #tpu.memory_space<vmem>>, vector<16xf32>,
        tpu.vector_store %arg12[%swap3A_197, %swap3A_198], %sub3A_196 {strides = array<i32>} : memref<400x48xf32, #tpu.memory_space<vmem>>, vector<16xf32>,
        %get3A_200 = arith.index_cast %scan3A_182 : i32 to index
        %get3A_201 = arith.constant 32 : index
        %get3A_202 = tpu.vector_load %arg12[%get3A_200, %get3A_201] {strides = array<i32>} : memref<400x48xf32, #tpu.memory_space<vmem>>, vector<16xf32>,
        %get3A_203 = arith.index_cast %scan3A_182 : i32 to index
        %get3A_204 = arith.constant 32 : index
        %get3A_205 = tpu.vector_load %arg13[%get3A_203, %get3A_204] {strides = array<i32>} : memref<400x48xf32, #tpu.memory_space<vmem>>, vector<16xf32>,
        %sub3A_206 = arith.subf %get3A_202, %get3A_205 : vector<16xf32>
        %swap3A_207 = arith.index_cast %scan3A_182 : i32 to index
        %swap3A_208 = arith.constant 32 : index
        %swap3A_209 = tpu.vector_load %arg12[%swap3A_207, %swap3A_208] {strides = array<i32>} : memref<400x48xf32, #tpu.memory_space<vmem>>, vector<16xf32>,
        tpu.vector_store %arg12[%swap3A_207, %swap3A_208], %sub3A_206 {strides = array<i32>} : memref<400x48xf32, #tpu.memory_space<vmem>>, vector<16xf32>,
      }
      %scan3A_181 = arith.constant 400 : i32
      "tpu.region"() ({
        %run_scoped3A = tpu.sem_alloc : memref<!tpu.dma_semaphore, #tpu.memory_space<semaphore_mem>>
        %dma_start3A_182 = arith.constant 0 : i32
        %dma_start3A_183 = tpu.memref_slice %arg6[%add3A_11, %dma_start3A_182] : memref<320000x48xf32, #tpu.memory_space<hbm>> -> memref<400x48xf32, #tpu.memory_space<hbm>>
        %dma_start3A_184 = arith.constant 0 : i32
        %dma_start3A_185 = tpu.memref_slice %arg6[%add3A_11, %dma_start3A_184] : memref<320000x48xf32, #tpu.memory_space<hbm>> -> memref<400x48xf32, #tpu.memory_space<hbm>>
        tpu.enqueue_dma source(%arg12 : memref<400x48xf32, #tpu.memory_space<vmem>>) target(%dma_start3A_185 : memref<400x48xf32, #tpu.memory_space<hbm>>) target_semaphore(%run_scoped3A : memref<!tpu.dma_semaphore, #tpu.memory_space<semaphore_mem>>)
        %dma_wait3A_186 = arith.constant 0 : i32
        %dma_wait3A_187 = tpu.memref_slice %arg6[%add3A_11, %dma_wait3A_186] : memref<320000x48xf32, #tpu.memory_space<hbm>> -> memref<400x48xf32, #tpu.memory_space<hbm>>
        %dma_wait3A_188 = arith.constant 0 : i32
        %dma_wait3A_189 = tpu.memref_slice %arg6[%add3A_11, %dma_wait3A_188] : memref<320000x48xf32, #tpu.memory_space<hbm>> -> memref<400x48xf32, #tpu.memory_space<hbm>>
        tpu.wait_dma2 semaphore(%run_scoped3A : memref<!tpu.dma_semaphore, #tpu.memory_space<semaphore_mem>>) src(%arg12 : memref<400x48xf32, #tpu.memory_space<vmem>>) dst(%dma_wait3A_189 : memref<400x48xf32, #tpu.memory_space<hbm>>)
        tpu.yield
      }) : () -> ()
      "tpu.region"() ({
        %run_scoped3A = tpu.sem_alloc : memref<!tpu.dma_semaphore, #tpu.memory_space<semaphore_mem>>
        %dma_start3A_182 = tpu.memref_slice %arg7[%add3A_11] : memref<320000xi32, #tpu.memory_space<hbm>> -> memref<400xi32, #tpu.memory_space<hbm>>
        %dma_start3A_183 = tpu.memref_slice %arg7[%add3A_11] : memref<320000xi32, #tpu.memory_space<hbm>> -> memref<400xi32, #tpu.memory_space<hbm>>
        tpu.enqueue_dma source(%arg14 : memref<400xi32, #tpu.memory_space<vmem>>) target(%dma_start3A_183 : memref<400xi32, #tpu.memory_space<hbm>>) target_semaphore(%run_scoped3A : memref<!tpu.dma_semaphore, #tpu.memory_space<semaphore_mem>>)
        %dma_wait3A_184 = tpu.memref_slice %arg7[%add3A_11] : memref<320000xi32, #tpu.memory_space<hbm>> -> memref<400xi32, #tpu.memory_space<hbm>>
        %dma_wait3A_185 = tpu.memref_slice %arg7[%add3A_11] : memref<320000xi32, #tpu.memory_space<hbm>> -> memref<400xi32, #tpu.memory_space<hbm>>
        tpu.wait_dma2 semaphore(%run_scoped3A : memref<!tpu.dma_semaphore, #tpu.memory_space<semaphore_mem>>) src(%arg14 : memref<400xi32, #tpu.memory_space<vmem>>) dst(%dma_wait3A_185 : memref<400xi32, #tpu.memory_space<hbm>>)
        tpu.yield
      }) : () -> ()
      "tpu.region"() ({
        %run_scoped3A = tpu.sem_alloc : memref<!tpu.dma_semaphore, #tpu.memory_space<semaphore_mem>>
        %dma_start3A_182 = tpu.memref_slice %arg8[%add3A_11] : memref<320000xi32, #tpu.memory_space<hbm>> -> memref<400xi32, #tpu.memory_space<hbm>>
        %dma_start3A_183 = tpu.memref_slice %arg8[%add3A_11] : memref<320000xi32, #tpu.memory_space<hbm>> -> memref<400xi32, #tpu.memory_space<hbm>>
        tpu.enqueue_dma source(%arg15 : memref<400xi32, #tpu.memory_space<vmem>>) target(%dma_start3A_183 : memref<400xi32, #tpu.memory_space<hbm>>) target_semaphore(%run_scoped3A : memref<!tpu.dma_semaphore, #tpu.memory_space<semaphore_mem>>)
        %dma_wait3A_184 = tpu.memref_slice %arg8[%add3A_11] : memref<320000xi32, #tpu.memory_space<hbm>> -> memref<400xi32, #tpu.memory_space<hbm>>
        %dma_wait3A_185 = tpu.memref_slice %arg8[%add3A_11] : memref<320000xi32, #tpu.memory_space<hbm>> -> memref<400xi32, #tpu.memory_space<hbm>>
        tpu.wait_dma2 semaphore(%run_scoped3A : memref<!tpu.dma_semaphore, #tpu.memory_space<semaphore_mem>>) src(%arg15 : memref<400xi32, #tpu.memory_space<vmem>>) dst(%dma_wait3A_185 : memref<400xi32, #tpu.memory_space<hbm>>)
        tpu.yield
      }) : () -> ()
    }
    %scan3A_7 = arith.constant 25 : i32
    return
  }
}

#map = affine_map<(d0, d1) -> (0, 0, 0)>
module attributes {stable_mosaic.version = 14 : i64} {
  func.func @body(%arg0: i32, %arg1: i32, %arg2: memref<2x320000x96xf32, #tpu.memory_space<hbm>>, %arg3: memref<800x5x80xi32, #tpu.memory_space<hbm>>, %arg4: memref<2x10240x96xf32, #tpu.memory_space<hbm>>, %arg5: memref<5x80xi32, #tpu.memory_space<vmem>>, %arg6: memref<400x96xf32, #tpu.memory_space<vmem>>, %arg7: memref<128x96xf32, #tpu.memory_space<vmem>>, %arg8: memref<10240x96xf32, #tpu.memory_space<vmem_shared>>) attributes {dimension_semantics = [#tpu.dimension_semantics<core_parallel>, #tpu.dimension_semantics<subcore_parallel>], iteration_bounds = array<i64: 2, 16>, scalar_prefetch = 0 : i64, scratch_operands = 4 : i64, tpu.core_type = #tpu.core_type<sc_vector_subcore>, window_params = [{transform_indices = #map}, {transform_indices = #map}, {transform_indices = #map}]} {
    %scan3A = arith.constant 0 : i32
    %scan3A_0 = arith.constant 0 : i32
    %scan3A_1 = arith.constant 768 : i32
    %scan3A_2 = arith.addi %scan3A_0, %scan3A_1 : i32
    %scan3A_3 = arith.constant 1 : i32
    scf.for %scan3A_22 = %scan3A_0 to %scan3A_2 step %scan3A_3  : i32 {
      %broadcast_in_dim3A = arith.constant 0.000000e+00 : f32
      %broadcast_in_dim3A_23 = vector.broadcast %broadcast_in_dim3A : f32 to vector<16xf32>
      %jit3A = arith.constant 6 : i32
      %div3A = arith.divsi %scan3A_22, %jit3A : i32
      %sign3A = arith.constant 0 : i32
      %sign3A_24 = arith.cmpi sgt, %scan3A_22, %sign3A : i32
      %sign3A_25 = arith.extui %sign3A_24 : i1 to i32
      %sign3A_26 = arith.constant 0 : i32
      %sign3A_27 = arith.cmpi slt, %scan3A_22, %sign3A_26 : i32
      %sign3A_28 = arith.extui %sign3A_27 : i1 to i32
      %sign3A_29 = arith.subi %sign3A_25, %sign3A_28 : i32
      %sign3A_30 = arith.constant 0 : i32
      %sign3A_31 = arith.cmpi sgt, %jit3A, %sign3A_30 : i32
      %sign3A_32 = arith.extui %sign3A_31 : i1 to i32
      %sign3A_33 = arith.constant 0 : i32
      %sign3A_34 = arith.cmpi slt, %jit3A, %sign3A_33 : i32
      %sign3A_35 = arith.extui %sign3A_34 : i1 to i32
      %sign3A_36 = arith.subi %sign3A_32, %sign3A_35 : i32
      %ne3A = arith.cmpi ne, %sign3A_29, %sign3A_36 : i32
      %rem3A = arith.remsi %scan3A_22, %jit3A : i32
      %ne3A_37 = arith.constant 0 : i32
      %ne3A_38 = arith.cmpi ne, %rem3A, %ne3A_37 : i32
      %and3A = arith.andi %ne3A, %ne3A_38 : i1
      %sub3A = arith.constant 1 : i32
      %sub3A_39 = arith.subi %div3A, %sub3A : i32
      %select_n3A = arith.select %and3A, %sub3A_39, %div3A : i32
      %jit3A_40 = arith.constant 6 : i32
      %eq3A = arith.constant 0 : i32
      %eq3A_41 = arith.cmpi eq, %jit3A_40, %eq3A : i32
      %jit3A_42 = arith.constant 1 : i32
      %select_n3A_43 = arith.select %eq3A_41, %jit3A_42, %jit3A_40 : i32
      %rem3A_44 = arith.remsi %scan3A_22, %select_n3A_43 : i32
      %ne3A_45 = arith.constant 0 : i32
      %ne3A_46 = arith.cmpi ne, %rem3A_44, %ne3A_45 : i32
      %lt3A = arith.constant 0 : i32
      %lt3A_47 = arith.cmpi slt, %rem3A_44, %lt3A : i32
      %lt3A_48 = arith.constant 0 : i32
      %lt3A_49 = arith.cmpi slt, %select_n3A_43, %lt3A_48 : i32
      %ne3A_50 = arith.xori %lt3A_47, %lt3A_49 : i1
      %and3A_51 = arith.andi %ne3A_50, %ne3A_46 : i1
      %add3A_52 = arith.addi %rem3A_44, %select_n3A_43 : i32
      %select_n3A_53 = arith.select %and3A_51, %add3A_52, %rem3A_44 : i32
      %mul3A_54 = arith.constant 16 : i32
      %mul3A_55 = arith.muli %select_n3A_53, %mul3A_54 : i32
      %swap3A = arith.index_cast %select_n3A : i32 to index
      %swap3A_56 = arith.index_cast %mul3A_55 : i32 to index
      %swap3A_57 = tpu.vector_load %arg7[%swap3A, %swap3A_56] {strides = array<i32>} : memref<128x96xf32, #tpu.memory_space<vmem>>, vector<16xf32>,
      tpu.vector_store %arg7[%swap3A, %swap3A_56], %broadcast_in_dim3A_23 {strides = array<i32>} : memref<128x96xf32, #tpu.memory_space<vmem>>, vector<16xf32>,
    }
    %scan3A_4 = arith.constant 768 : i32
    %mul3A = arith.constant 640 : i32
    %mul3A_5 = arith.muli %arg1, %mul3A : i32
    %add3A = arith.constant 0 : i32
    %add3A_6 = arith.addi %mul3A_5, %add3A : i32
    "tpu.region"() ({
      %run_scoped3A = tpu.sem_alloc : memref<!tpu.dma_semaphore, #tpu.memory_space<semaphore_mem>>
      %dma_start3A = arith.constant 0 : i32
      %dma_start3A_22 = tpu.memref_slice %arg8[%add3A_6, %dma_start3A] : memref<10240x96xf32, #tpu.memory_space<vmem_shared>> -> memref<128x96xf32, #tpu.memory_space<vmem_shared>>
      %dma_start3A_23 = arith.constant 0 : i32
      %dma_start3A_24 = tpu.memref_slice %arg8[%add3A_6, %dma_start3A_23] : memref<10240x96xf32, #tpu.memory_space<vmem_shared>> -> memref<128x96xf32, #tpu.memory_space<vmem_shared>>
      tpu.enqueue_dma source(%arg7 : memref<128x96xf32, #tpu.memory_space<vmem>>) target(%dma_start3A_24 : memref<128x96xf32, #tpu.memory_space<vmem_shared>>) target_semaphore(%run_scoped3A : memref<!tpu.dma_semaphore, #tpu.memory_space<semaphore_mem>>)
      %dma_wait3A = arith.constant 0 : i32
      %dma_wait3A_25 = tpu.memref_slice %arg8[%add3A_6, %dma_wait3A] : memref<10240x96xf32, #tpu.memory_space<vmem_shared>> -> memref<128x96xf32, #tpu.memory_space<vmem_shared>>
      %dma_wait3A_26 = arith.constant 0 : i32
      %dma_wait3A_27 = tpu.memref_slice %arg8[%add3A_6, %dma_wait3A_26] : memref<10240x96xf32, #tpu.memory_space<vmem_shared>> -> memref<128x96xf32, #tpu.memory_space<vmem_shared>>
      tpu.wait_dma2 semaphore(%run_scoped3A : memref<!tpu.dma_semaphore, #tpu.memory_space<semaphore_mem>>) src(%arg7 : memref<128x96xf32, #tpu.memory_space<vmem>>) dst(%dma_wait3A_27 : memref<128x96xf32, #tpu.memory_space<vmem_shared>>)
      tpu.yield
    }) : () -> ()
    %add3A_7 = arith.constant 128 : i32
    %add3A_8 = arith.addi %mul3A_5, %add3A_7 : i32
    "tpu.region"() ({
      %run_scoped3A = tpu.sem_alloc : memref<!tpu.dma_semaphore, #tpu.memory_space<semaphore_mem>>
      %dma_start3A = arith.constant 0 : i32
      %dma_start3A_22 = tpu.memref_slice %arg8[%add3A_8, %dma_start3A] : memref<10240x96xf32, #tpu.memory_space<vmem_shared>> -> memref<128x96xf32, #tpu.memory_space<vmem_shared>>
      %dma_start3A_23 = arith.constant 0 : i32
      %dma_start3A_24 = tpu.memref_slice %arg8[%add3A_8, %dma_start3A_23] : memref<10240x96xf32, #tpu.memory_space<vmem_shared>> -> memref<128x96xf32, #tpu.memory_space<vmem_shared>>
      tpu.enqueue_dma source(%arg7 : memref<128x96xf32, #tpu.memory_space<vmem>>) target(%dma_start3A_24 : memref<128x96xf32, #tpu.memory_space<vmem_shared>>) target_semaphore(%run_scoped3A : memref<!tpu.dma_semaphore, #tpu.memory_space<semaphore_mem>>)
      %dma_wait3A = arith.constant 0 : i32
      %dma_wait3A_25 = tpu.memref_slice %arg8[%add3A_8, %dma_wait3A] : memref<10240x96xf32, #tpu.memory_space<vmem_shared>> -> memref<128x96xf32, #tpu.memory_space<vmem_shared>>
      %dma_wait3A_26 = arith.constant 0 : i32
      %dma_wait3A_27 = tpu.memref_slice %arg8[%add3A_8, %dma_wait3A_26] : memref<10240x96xf32, #tpu.memory_space<vmem_shared>> -> memref<128x96xf32, #tpu.memory_space<vmem_shared>>
      tpu.wait_dma2 semaphore(%run_scoped3A : memref<!tpu.dma_semaphore, #tpu.memory_space<semaphore_mem>>) src(%arg7 : memref<128x96xf32, #tpu.memory_space<vmem>>) dst(%dma_wait3A_27 : memref<128x96xf32, #tpu.memory_space<vmem_shared>>)
      tpu.yield
    }) : () -> ()
    %add3A_9 = arith.constant 256 : i32
    %add3A_10 = arith.addi %mul3A_5, %add3A_9 : i32
    "tpu.region"() ({
      %run_scoped3A = tpu.sem_alloc : memref<!tpu.dma_semaphore, #tpu.memory_space<semaphore_mem>>
      %dma_start3A = arith.constant 0 : i32
      %dma_start3A_22 = tpu.memref_slice %arg8[%add3A_10, %dma_start3A] : memref<10240x96xf32, #tpu.memory_space<vmem_shared>> -> memref<128x96xf32, #tpu.memory_space<vmem_shared>>
      %dma_start3A_23 = arith.constant 0 : i32
      %dma_start3A_24 = tpu.memref_slice %arg8[%add3A_10, %dma_start3A_23] : memref<10240x96xf32, #tpu.memory_space<vmem_shared>> -> memref<128x96xf32, #tpu.memory_space<vmem_shared>>
      tpu.enqueue_dma source(%arg7 : memref<128x96xf32, #tpu.memory_space<vmem>>) target(%dma_start3A_24 : memref<128x96xf32, #tpu.memory_space<vmem_shared>>) target_semaphore(%run_scoped3A : memref<!tpu.dma_semaphore, #tpu.memory_space<semaphore_mem>>)
      %dma_wait3A = arith.constant 0 : i32
      %dma_wait3A_25 = tpu.memref_slice %arg8[%add3A_10, %dma_wait3A] : memref<10240x96xf32, #tpu.memory_space<vmem_shared>> -> memref<128x96xf32, #tpu.memory_space<vmem_shared>>
      %dma_wait3A_26 = arith.constant 0 : i32
      %dma_wait3A_27 = tpu.memref_slice %arg8[%add3A_10, %dma_wait3A_26] : memref<10240x96xf32, #tpu.memory_space<vmem_shared>> -> memref<128x96xf32, #tpu.memory_space<vmem_shared>>
      tpu.wait_dma2 semaphore(%run_scoped3A : memref<!tpu.dma_semaphore, #tpu.memory_space<semaphore_mem>>) src(%arg7 : memref<128x96xf32, #tpu.memory_space<vmem>>) dst(%dma_wait3A_27 : memref<128x96xf32, #tpu.memory_space<vmem_shared>>)
      tpu.yield
    }) : () -> ()
    %add3A_11 = arith.constant 384 : i32
    %add3A_12 = arith.addi %mul3A_5, %add3A_11 : i32
    "tpu.region"() ({
      %run_scoped3A = tpu.sem_alloc : memref<!tpu.dma_semaphore, #tpu.memory_space<semaphore_mem>>
      %dma_start3A = arith.constant 0 : i32
      %dma_start3A_22 = tpu.memref_slice %arg8[%add3A_12, %dma_start3A] : memref<10240x96xf32, #tpu.memory_space<vmem_shared>> -> memref<128x96xf32, #tpu.memory_space<vmem_shared>>
      %dma_start3A_23 = arith.constant 0 : i32
      %dma_start3A_24 = tpu.memref_slice %arg8[%add3A_12, %dma_start3A_23] : memref<10240x96xf32, #tpu.memory_space<vmem_shared>> -> memref<128x96xf32, #tpu.memory_space<vmem_shared>>
      tpu.enqueue_dma source(%arg7 : memref<128x96xf32, #tpu.memory_space<vmem>>) target(%dma_start3A_24 : memref<128x96xf32, #tpu.memory_space<vmem_shared>>) target_semaphore(%run_scoped3A : memref<!tpu.dma_semaphore, #tpu.memory_space<semaphore_mem>>)
      %dma_wait3A = arith.constant 0 : i32
      %dma_wait3A_25 = tpu.memref_slice %arg8[%add3A_12, %dma_wait3A] : memref<10240x96xf32, #tpu.memory_space<vmem_shared>> -> memref<128x96xf32, #tpu.memory_space<vmem_shared>>
      %dma_wait3A_26 = arith.constant 0 : i32
      %dma_wait3A_27 = tpu.memref_slice %arg8[%add3A_12, %dma_wait3A_26] : memref<10240x96xf32, #tpu.memory_space<vmem_shared>> -> memref<128x96xf32, #tpu.memory_space<vmem_shared>>
      tpu.wait_dma2 semaphore(%run_scoped3A : memref<!tpu.dma_semaphore, #tpu.memory_space<semaphore_mem>>) src(%arg7 : memref<128x96xf32, #tpu.memory_space<vmem>>) dst(%dma_wait3A_27 : memref<128x96xf32, #tpu.memory_space<vmem_shared>>)
      tpu.yield
    }) : () -> ()
    %add3A_13 = arith.constant 512 : i32
    %add3A_14 = arith.addi %mul3A_5, %add3A_13 : i32
    "tpu.region"() ({
      %run_scoped3A = tpu.sem_alloc : memref<!tpu.dma_semaphore, #tpu.memory_space<semaphore_mem>>
      %dma_start3A = arith.constant 0 : i32
      %dma_start3A_22 = tpu.memref_slice %arg8[%add3A_14, %dma_start3A] : memref<10240x96xf32, #tpu.memory_space<vmem_shared>> -> memref<128x96xf32, #tpu.memory_space<vmem_shared>>
      %dma_start3A_23 = arith.constant 0 : i32
      %dma_start3A_24 = tpu.memref_slice %arg8[%add3A_14, %dma_start3A_23] : memref<10240x96xf32, #tpu.memory_space<vmem_shared>> -> memref<128x96xf32, #tpu.memory_space<vmem_shared>>
      tpu.enqueue_dma source(%arg7 : memref<128x96xf32, #tpu.memory_space<vmem>>) target(%dma_start3A_24 : memref<128x96xf32, #tpu.memory_space<vmem_shared>>) target_semaphore(%run_scoped3A : memref<!tpu.dma_semaphore, #tpu.memory_space<semaphore_mem>>)
      %dma_wait3A = arith.constant 0 : i32
      %dma_wait3A_25 = tpu.memref_slice %arg8[%add3A_14, %dma_wait3A] : memref<10240x96xf32, #tpu.memory_space<vmem_shared>> -> memref<128x96xf32, #tpu.memory_space<vmem_shared>>
      %dma_wait3A_26 = arith.constant 0 : i32
      %dma_wait3A_27 = tpu.memref_slice %arg8[%add3A_14, %dma_wait3A_26] : memref<10240x96xf32, #tpu.memory_space<vmem_shared>> -> memref<128x96xf32, #tpu.memory_space<vmem_shared>>
      tpu.wait_dma2 semaphore(%run_scoped3A : memref<!tpu.dma_semaphore, #tpu.memory_space<semaphore_mem>>) src(%arg7 : memref<128x96xf32, #tpu.memory_space<vmem>>) dst(%dma_wait3A_27 : memref<128x96xf32, #tpu.memory_space<vmem_shared>>)
      tpu.yield
    }) : () -> ()
    %barrier3A = arith.constant 0 : index
    tpu.barrier barrier_id(%barrier3A)
    %scan3A_15 = arith.constant 0 : i32
    %scan3A_16 = arith.constant 0 : i32
    %scan3A_17 = arith.constant 50 : i32
    %scan3A_18 = arith.addi %scan3A_16, %scan3A_17 : i32
    %scan3A_19 = arith.constant 1 : i32
    scf.for %scan3A_22 = %scan3A_16 to %scan3A_18 step %scan3A_19  : i32 {
      %mul3A_23 = arith.constant 50 : i32
      %mul3A_24 = arith.muli %arg1, %mul3A_23 : i32
      %add3A_25 = arith.addi %mul3A_24, %scan3A_22 : i32
      "tpu.region"() ({
        %run_scoped3A_32 = tpu.sem_alloc : memref<!tpu.dma_semaphore, #tpu.memory_space<semaphore_mem>>
        %dma_start3A = arith.constant 0 : i32
        %dma_start3A_33 = arith.constant 0 : i32
        %dma_start3A_34 = tpu.memref_slice %arg3[%add3A_25, %dma_start3A, %dma_start3A_33] : memref<800x5x80xi32, #tpu.memory_space<hbm>> -> memref<1x5x80xi32, #tpu.memory_space<hbm>>
        %dma_start3A_35 = tpu.memref_squeeze %dma_start3A_34 : memref<1x5x80xi32, #tpu.memory_space<hbm>> -> memref<5x80xi32, #tpu.memory_space<hbm>>
        %dma_start3A_36 = arith.constant 0 : i32
        %dma_start3A_37 = arith.constant 0 : i32
        %dma_start3A_38 = tpu.memref_slice %arg3[%add3A_25, %dma_start3A_36, %dma_start3A_37] : memref<800x5x80xi32, #tpu.memory_space<hbm>> -> memref<1x5x80xi32, #tpu.memory_space<hbm>>
        %dma_start3A_39 = tpu.memref_squeeze %dma_start3A_38 : memref<1x5x80xi32, #tpu.memory_space<hbm>> -> memref<5x80xi32, #tpu.memory_space<hbm>>
        tpu.enqueue_dma source(%dma_start3A_39 : memref<5x80xi32, #tpu.memory_space<hbm>>) target(%arg5 : memref<5x80xi32, #tpu.memory_space<vmem>>) target_semaphore(%run_scoped3A_32 : memref<!tpu.dma_semaphore, #tpu.memory_space<semaphore_mem>>)
        %dma_wait3A = arith.constant 0 : i32
        %dma_wait3A_40 = arith.constant 0 : i32
        %dma_wait3A_41 = tpu.memref_slice %arg3[%add3A_25, %dma_wait3A, %dma_wait3A_40] : memref<800x5x80xi32, #tpu.memory_space<hbm>> -> memref<1x5x80xi32, #tpu.memory_space<hbm>>
        %dma_wait3A_42 = tpu.memref_squeeze %dma_wait3A_41 : memref<1x5x80xi32, #tpu.memory_space<hbm>> -> memref<5x80xi32, #tpu.memory_space<hbm>>
        %dma_wait3A_43 = arith.constant 0 : i32
        %dma_wait3A_44 = arith.constant 0 : i32
        %dma_wait3A_45 = tpu.memref_slice %arg3[%add3A_25, %dma_wait3A_43, %dma_wait3A_44] : memref<800x5x80xi32, #tpu.memory_space<hbm>> -> memref<1x5x80xi32, #tpu.memory_space<hbm>>
        %dma_wait3A_46 = tpu.memref_squeeze %dma_wait3A_45 : memref<1x5x80xi32, #tpu.memory_space<hbm>> -> memref<5x80xi32, #tpu.memory_space<hbm>>
        tpu.wait_dma2 semaphore(%run_scoped3A_32 : memref<!tpu.dma_semaphore, #tpu.memory_space<semaphore_mem>>) src(%dma_wait3A_46 : memref<5x80xi32, #tpu.memory_space<hbm>>) dst(%arg5 : memref<5x80xi32, #tpu.memory_space<vmem>>)
        tpu.yield
      }) : () -> ()
      %mul3A_26 = arith.constant 400 : i32
      %mul3A_27 = arith.muli %add3A_25, %mul3A_26 : i32
      "tpu.region"() ({
        %run_scoped3A_32 = tpu.sem_alloc : memref<!tpu.dma_semaphore, #tpu.memory_space<semaphore_mem>>
        %dma_start3A = arith.constant 0 : i32
        %dma_start3A_33 = tpu.memref_slice %arg2[%arg0, %mul3A_27, %dma_start3A] : memref<2x320000x96xf32, #tpu.memory_space<hbm>> -> memref<1x400x96xf32, #tpu.memory_space<hbm>>
        %dma_start3A_34 = tpu.memref_squeeze %dma_start3A_33 : memref<1x400x96xf32, #tpu.memory_space<hbm>> -> memref<400x96xf32, #tpu.memory_space<hbm>>
        %dma_start3A_35 = arith.constant 0 : i32
        %dma_start3A_36 = tpu.memref_slice %arg2[%arg0, %mul3A_27, %dma_start3A_35] : memref<2x320000x96xf32, #tpu.memory_space<hbm>> -> memref<1x400x96xf32, #tpu.memory_space<hbm>>
        %dma_start3A_37 = tpu.memref_squeeze %dma_start3A_36 : memref<1x400x96xf32, #tpu.memory_space<hbm>> -> memref<400x96xf32, #tpu.memory_space<hbm>>
        tpu.enqueue_dma source(%dma_start3A_37 : memref<400x96xf32, #tpu.memory_space<hbm>>) target(%arg6 : memref<400x96xf32, #tpu.memory_space<vmem>>) target_semaphore(%run_scoped3A_32 : memref<!tpu.dma_semaphore, #tpu.memory_space<semaphore_mem>>)
        %dma_wait3A = arith.constant 0 : i32
        %dma_wait3A_38 = tpu.memref_slice %arg2[%arg0, %mul3A_27, %dma_wait3A] : memref<2x320000x96xf32, #tpu.memory_space<hbm>> -> memref<1x400x96xf32, #tpu.memory_space<hbm>>
        %dma_wait3A_39 = tpu.memref_squeeze %dma_wait3A_38 : memref<1x400x96xf32, #tpu.memory_space<hbm>> -> memref<400x96xf32, #tpu.memory_space<hbm>>
        %dma_wait3A_40 = arith.constant 0 : i32
        %dma_wait3A_41 = tpu.memref_slice %arg2[%arg0, %mul3A_27, %dma_wait3A_40] : memref<2x320000x96xf32, #tpu.memory_space<hbm>> -> memref<1x400x96xf32, #tpu.memory_space<hbm>>
        %dma_wait3A_42 = tpu.memref_squeeze %dma_wait3A_41 : memref<1x400x96xf32, #tpu.memory_space<hbm>> -> memref<400x96xf32, #tpu.memory_space<hbm>>
        tpu.wait_dma2 semaphore(%run_scoped3A_32 : memref<!tpu.dma_semaphore, #tpu.memory_space<semaphore_mem>>) src(%dma_wait3A_42 : memref<400x96xf32, #tpu.memory_space<hbm>>) dst(%arg6 : memref<400x96xf32, #tpu.memory_space<vmem>>)
        tpu.yield
      }) : () -> ()
      %run_scoped3A = arith.constant 0 : i32
      "tpu.region"() ({
        %run_scoped3A_32 = tpu.sem_alloc : memref<!tpu.dma_semaphore, #tpu.memory_space<semaphore_mem>>
        %dma_start3A = arith.constant 0 : i32
        %dma_start3A_33 = arith.constant 0 : i32
        %dma_start3A_34 = tpu.memref_slice %arg6[%dma_start3A, %dma_start3A_33] : memref<400x96xf32, #tpu.memory_space<vmem>> -> memref<80x96xf32, #tpu.memory_space<vmem>>
        %dma_start3A_35 = arith.constant 0 : i32
        %dma_start3A_36 = tpu.memref_slice %arg5[%run_scoped3A, %dma_start3A_35] : memref<5x80xi32, #tpu.memory_space<vmem>> -> memref<1x80xi32, #tpu.memory_space<vmem>>
        %dma_start3A_37 = tpu.memref_squeeze %dma_start3A_36 : memref<1x80xi32, #tpu.memory_space<vmem>> -> memref<80xi32, #tpu.memory_space<vmem>>
        %dma_start3A_38 = arith.constant 0 : i32
        %dma_start3A_39 = arith.constant 0 : i32
        %dma_start3A_40 = tpu.memref_slice %arg8[%dma_start3A_38, %dma_start3A_39] : memref<10240x96xf32, #tpu.memory_space<vmem_shared>> -> memref<10240x96xf32, #tpu.memory_space<vmem_shared>>
        tpu.enqueue_indirect_dma source(%dma_start3A_34 : memref<80x96xf32, #tpu.memory_space<vmem>>) target(%dma_start3A_40 : memref<10240x96xf32, #tpu.memory_space<vmem_shared>>) offsets(%dma_start3A_37 : memref<80xi32, #tpu.memory_space<vmem>>) semaphore(%run_scoped3A_32 : memref<!tpu.dma_semaphore, #tpu.memory_space<semaphore_mem>>) {add = true}
        %dma_wait3A = arith.constant 0 : i32
        %dma_wait3A_41 = arith.constant 0 : i32
        %dma_wait3A_42 = tpu.memref_slice %arg6[%dma_wait3A, %dma_wait3A_41] : memref<400x96xf32, #tpu.memory_space<vmem>> -> memref<80x96xf32, #tpu.memory_space<vmem>>
        %dma_wait3A_43 = arith.constant 0 : i32
        %dma_wait3A_44 = tpu.memref_slice %arg5[%run_scoped3A, %dma_wait3A_43] : memref<5x80xi32, #tpu.memory_space<vmem>> -> memref<1x80xi32, #tpu.memory_space<vmem>>
        %dma_wait3A_45 = tpu.memref_squeeze %dma_wait3A_44 : memref<1x80xi32, #tpu.memory_space<vmem>> -> memref<80xi32, #tpu.memory_space<vmem>>
        %dma_wait3A_46 = arith.constant 0 : i32
        %dma_wait3A_47 = arith.constant 0 : i32
        %dma_wait3A_48 = tpu.memref_slice %arg8[%dma_wait3A_46, %dma_wait3A_47] : memref<10240x96xf32, #tpu.memory_space<vmem_shared>> -> memref<10240x96xf32, #tpu.memory_space<vmem_shared>>
        tpu.wait_indirect_dma semaphore(%run_scoped3A_32 : memref<!tpu.dma_semaphore, #tpu.memory_space<semaphore_mem>>) src(%dma_wait3A_42 : memref<80x96xf32, #tpu.memory_space<vmem>>) dst(%dma_wait3A_48 : memref<10240x96xf32, #tpu.memory_space<vmem_shared>>)
        tpu.yield
      }) : () -> ()
      %run_scoped3A_28 = arith.constant 1 : i32
      "tpu.region"() ({
        %run_scoped3A_32 = tpu.sem_alloc : memref<!tpu.dma_semaphore, #tpu.memory_space<semaphore_mem>>
        %dma_start3A = arith.constant 80 : i32
        %dma_start3A_33 = arith.constant 0 : i32
        %dma_start3A_34 = tpu.memref_slice %arg6[%dma_start3A, %dma_start3A_33] : memref<400x96xf32, #tpu.memory_space<vmem>> -> memref<80x96xf32, #tpu.memory_space<vmem>>
        %dma_start3A_35 = arith.constant 0 : i32
        %dma_start3A_36 = tpu.memref_slice %arg5[%run_scoped3A_28, %dma_start3A_35] : memref<5x80xi32, #tpu.memory_space<vmem>> -> memref<1x80xi32, #tpu.memory_space<vmem>>
        %dma_start3A_37 = tpu.memref_squeeze %dma_start3A_36 : memref<1x80xi32, #tpu.memory_space<vmem>> -> memref<80xi32, #tpu.memory_space<vmem>>
        %dma_start3A_38 = arith.constant 0 : i32
        %dma_start3A_39 = arith.constant 0 : i32
        %dma_start3A_40 = tpu.memref_slice %arg8[%dma_start3A_38, %dma_start3A_39] : memref<10240x96xf32, #tpu.memory_space<vmem_shared>> -> memref<10240x96xf32, #tpu.memory_space<vmem_shared>>
        tpu.enqueue_indirect_dma source(%dma_start3A_34 : memref<80x96xf32, #tpu.memory_space<vmem>>) target(%dma_start3A_40 : memref<10240x96xf32, #tpu.memory_space<vmem_shared>>) offsets(%dma_start3A_37 : memref<80xi32, #tpu.memory_space<vmem>>) semaphore(%run_scoped3A_32 : memref<!tpu.dma_semaphore, #tpu.memory_space<semaphore_mem>>) {add = true}
        %dma_wait3A = arith.constant 80 : i32
        %dma_wait3A_41 = arith.constant 0 : i32
        %dma_wait3A_42 = tpu.memref_slice %arg6[%dma_wait3A, %dma_wait3A_41] : memref<400x96xf32, #tpu.memory_space<vmem>> -> memref<80x96xf32, #tpu.memory_space<vmem>>
        %dma_wait3A_43 = arith.constant 0 : i32
        %dma_wait3A_44 = tpu.memref_slice %arg5[%run_scoped3A_28, %dma_wait3A_43] : memref<5x80xi32, #tpu.memory_space<vmem>> -> memref<1x80xi32, #tpu.memory_space<vmem>>
        %dma_wait3A_45 = tpu.memref_squeeze %dma_wait3A_44 : memref<1x80xi32, #tpu.memory_space<vmem>> -> memref<80xi32, #tpu.memory_space<vmem>>
        %dma_wait3A_46 = arith.constant 0 : i32
        %dma_wait3A_47 = arith.constant 0 : i32
        %dma_wait3A_48 = tpu.memref_slice %arg8[%dma_wait3A_46, %dma_wait3A_47] : memref<10240x96xf32, #tpu.memory_space<vmem_shared>> -> memref<10240x96xf32, #tpu.memory_space<vmem_shared>>
        tpu.wait_indirect_dma semaphore(%run_scoped3A_32 : memref<!tpu.dma_semaphore, #tpu.memory_space<semaphore_mem>>) src(%dma_wait3A_42 : memref<80x96xf32, #tpu.memory_space<vmem>>) dst(%dma_wait3A_48 : memref<10240x96xf32, #tpu.memory_space<vmem_shared>>)
        tpu.yield
      }) : () -> ()
      %run_scoped3A_29 = arith.constant 2 : i32
      "tpu.region"() ({
        %run_scoped3A_32 = tpu.sem_alloc : memref<!tpu.dma_semaphore, #tpu.memory_space<semaphore_mem>>
        %dma_start3A = arith.constant 160 : i32
        %dma_start3A_33 = arith.constant 0 : i32
        %dma_start3A_34 = tpu.memref_slice %arg6[%dma_start3A, %dma_start3A_33] : memref<400x96xf32, #tpu.memory_space<vmem>> -> memref<80x96xf32, #tpu.memory_space<vmem>>
        %dma_start3A_35 = arith.constant 0 : i32
        %dma_start3A_36 = tpu.memref_slice %arg5[%run_scoped3A_29, %dma_start3A_35] : memref<5x80xi32, #tpu.memory_space<vmem>> -> memref<1x80xi32, #tpu.memory_space<vmem>>
        %dma_start3A_37 = tpu.memref_squeeze %dma_start3A_36 : memref<1x80xi32, #tpu.memory_space<vmem>> -> memref<80xi32, #tpu.memory_space<vmem>>
        %dma_start3A_38 = arith.constant 0 : i32
        %dma_start3A_39 = arith.constant 0 : i32
        %dma_start3A_40 = tpu.memref_slice %arg8[%dma_start3A_38, %dma_start3A_39] : memref<10240x96xf32, #tpu.memory_space<vmem_shared>> -> memref<10240x96xf32, #tpu.memory_space<vmem_shared>>
        tpu.enqueue_indirect_dma source(%dma_start3A_34 : memref<80x96xf32, #tpu.memory_space<vmem>>) target(%dma_start3A_40 : memref<10240x96xf32, #tpu.memory_space<vmem_shared>>) offsets(%dma_start3A_37 : memref<80xi32, #tpu.memory_space<vmem>>) semaphore(%run_scoped3A_32 : memref<!tpu.dma_semaphore, #tpu.memory_space<semaphore_mem>>) {add = true}
        %dma_wait3A = arith.constant 160 : i32
        %dma_wait3A_41 = arith.constant 0 : i32
        %dma_wait3A_42 = tpu.memref_slice %arg6[%dma_wait3A, %dma_wait3A_41] : memref<400x96xf32, #tpu.memory_space<vmem>> -> memref<80x96xf32, #tpu.memory_space<vmem>>
        %dma_wait3A_43 = arith.constant 0 : i32
        %dma_wait3A_44 = tpu.memref_slice %arg5[%run_scoped3A_29, %dma_wait3A_43] : memref<5x80xi32, #tpu.memory_space<vmem>> -> memref<1x80xi32, #tpu.memory_space<vmem>>
        %dma_wait3A_45 = tpu.memref_squeeze %dma_wait3A_44 : memref<1x80xi32, #tpu.memory_space<vmem>> -> memref<80xi32, #tpu.memory_space<vmem>>
        %dma_wait3A_46 = arith.constant 0 : i32
        %dma_wait3A_47 = arith.constant 0 : i32
        %dma_wait3A_48 = tpu.memref_slice %arg8[%dma_wait3A_46, %dma_wait3A_47] : memref<10240x96xf32, #tpu.memory_space<vmem_shared>> -> memref<10240x96xf32, #tpu.memory_space<vmem_shared>>
        tpu.wait_indirect_dma semaphore(%run_scoped3A_32 : memref<!tpu.dma_semaphore, #tpu.memory_space<semaphore_mem>>) src(%dma_wait3A_42 : memref<80x96xf32, #tpu.memory_space<vmem>>) dst(%dma_wait3A_48 : memref<10240x96xf32, #tpu.memory_space<vmem_shared>>)
        tpu.yield
      }) : () -> ()
      %run_scoped3A_30 = arith.constant 3 : i32
      "tpu.region"() ({
        %run_scoped3A_32 = tpu.sem_alloc : memref<!tpu.dma_semaphore, #tpu.memory_space<semaphore_mem>>
        %dma_start3A = arith.constant 240 : i32
        %dma_start3A_33 = arith.constant 0 : i32
        %dma_start3A_34 = tpu.memref_slice %arg6[%dma_start3A, %dma_start3A_33] : memref<400x96xf32, #tpu.memory_space<vmem>> -> memref<80x96xf32, #tpu.memory_space<vmem>>
        %dma_start3A_35 = arith.constant 0 : i32
        %dma_start3A_36 = tpu.memref_slice %arg5[%run_scoped3A_30, %dma_start3A_35] : memref<5x80xi32, #tpu.memory_space<vmem>> -> memref<1x80xi32, #tpu.memory_space<vmem>>
        %dma_start3A_37 = tpu.memref_squeeze %dma_start3A_36 : memref<1x80xi32, #tpu.memory_space<vmem>> -> memref<80xi32, #tpu.memory_space<vmem>>
        %dma_start3A_38 = arith.constant 0 : i32
        %dma_start3A_39 = arith.constant 0 : i32
        %dma_start3A_40 = tpu.memref_slice %arg8[%dma_start3A_38, %dma_start3A_39] : memref<10240x96xf32, #tpu.memory_space<vmem_shared>> -> memref<10240x96xf32, #tpu.memory_space<vmem_shared>>
        tpu.enqueue_indirect_dma source(%dma_start3A_34 : memref<80x96xf32, #tpu.memory_space<vmem>>) target(%dma_start3A_40 : memref<10240x96xf32, #tpu.memory_space<vmem_shared>>) offsets(%dma_start3A_37 : memref<80xi32, #tpu.memory_space<vmem>>) semaphore(%run_scoped3A_32 : memref<!tpu.dma_semaphore, #tpu.memory_space<semaphore_mem>>) {add = true}
        %dma_wait3A = arith.constant 240 : i32
        %dma_wait3A_41 = arith.constant 0 : i32
        %dma_wait3A_42 = tpu.memref_slice %arg6[%dma_wait3A, %dma_wait3A_41] : memref<400x96xf32, #tpu.memory_space<vmem>> -> memref<80x96xf32, #tpu.memory_space<vmem>>
        %dma_wait3A_43 = arith.constant 0 : i32
        %dma_wait3A_44 = tpu.memref_slice %arg5[%run_scoped3A_30, %dma_wait3A_43] : memref<5x80xi32, #tpu.memory_space<vmem>> -> memref<1x80xi32, #tpu.memory_space<vmem>>
        %dma_wait3A_45 = tpu.memref_squeeze %dma_wait3A_44 : memref<1x80xi32, #tpu.memory_space<vmem>> -> memref<80xi32, #tpu.memory_space<vmem>>
        %dma_wait3A_46 = arith.constant 0 : i32
        %dma_wait3A_47 = arith.constant 0 : i32
        %dma_wait3A_48 = tpu.memref_slice %arg8[%dma_wait3A_46, %dma_wait3A_47] : memref<10240x96xf32, #tpu.memory_space<vmem_shared>> -> memref<10240x96xf32, #tpu.memory_space<vmem_shared>>
        tpu.wait_indirect_dma semaphore(%run_scoped3A_32 : memref<!tpu.dma_semaphore, #tpu.memory_space<semaphore_mem>>) src(%dma_wait3A_42 : memref<80x96xf32, #tpu.memory_space<vmem>>) dst(%dma_wait3A_48 : memref<10240x96xf32, #tpu.memory_space<vmem_shared>>)
        tpu.yield
      }) : () -> ()
      %run_scoped3A_31 = arith.constant 4 : i32
      "tpu.region"() ({
        %run_scoped3A_32 = tpu.sem_alloc : memref<!tpu.dma_semaphore, #tpu.memory_space<semaphore_mem>>
        %dma_start3A = arith.constant 320 : i32
        %dma_start3A_33 = arith.constant 0 : i32
        %dma_start3A_34 = tpu.memref_slice %arg6[%dma_start3A, %dma_start3A_33] : memref<400x96xf32, #tpu.memory_space<vmem>> -> memref<80x96xf32, #tpu.memory_space<vmem>>
        %dma_start3A_35 = arith.constant 0 : i32
        %dma_start3A_36 = tpu.memref_slice %arg5[%run_scoped3A_31, %dma_start3A_35] : memref<5x80xi32, #tpu.memory_space<vmem>> -> memref<1x80xi32, #tpu.memory_space<vmem>>
        %dma_start3A_37 = tpu.memref_squeeze %dma_start3A_36 : memref<1x80xi32, #tpu.memory_space<vmem>> -> memref<80xi32, #tpu.memory_space<vmem>>
        %dma_start3A_38 = arith.constant 0 : i32
        %dma_start3A_39 = arith.constant 0 : i32
        %dma_start3A_40 = tpu.memref_slice %arg8[%dma_start3A_38, %dma_start3A_39] : memref<10240x96xf32, #tpu.memory_space<vmem_shared>> -> memref<10240x96xf32, #tpu.memory_space<vmem_shared>>
        tpu.enqueue_indirect_dma source(%dma_start3A_34 : memref<80x96xf32, #tpu.memory_space<vmem>>) target(%dma_start3A_40 : memref<10240x96xf32, #tpu.memory_space<vmem_shared>>) offsets(%dma_start3A_37 : memref<80xi32, #tpu.memory_space<vmem>>) semaphore(%run_scoped3A_32 : memref<!tpu.dma_semaphore, #tpu.memory_space<semaphore_mem>>) {add = true}
        %dma_wait3A = arith.constant 320 : i32
        %dma_wait3A_41 = arith.constant 0 : i32
        %dma_wait3A_42 = tpu.memref_slice %arg6[%dma_wait3A, %dma_wait3A_41] : memref<400x96xf32, #tpu.memory_space<vmem>> -> memref<80x96xf32, #tpu.memory_space<vmem>>
        %dma_wait3A_43 = arith.constant 0 : i32
        %dma_wait3A_44 = tpu.memref_slice %arg5[%run_scoped3A_31, %dma_wait3A_43] : memref<5x80xi32, #tpu.memory_space<vmem>> -> memref<1x80xi32, #tpu.memory_space<vmem>>
        %dma_wait3A_45 = tpu.memref_squeeze %dma_wait3A_44 : memref<1x80xi32, #tpu.memory_space<vmem>> -> memref<80xi32, #tpu.memory_space<vmem>>
        %dma_wait3A_46 = arith.constant 0 : i32
        %dma_wait3A_47 = arith.constant 0 : i32
        %dma_wait3A_48 = tpu.memref_slice %arg8[%dma_wait3A_46, %dma_wait3A_47] : memref<10240x96xf32, #tpu.memory_space<vmem_shared>> -> memref<10240x96xf32, #tpu.memory_space<vmem_shared>>
        tpu.wait_indirect_dma semaphore(%run_scoped3A_32 : memref<!tpu.dma_semaphore, #tpu.memory_space<semaphore_mem>>) src(%dma_wait3A_42 : memref<80x96xf32, #tpu.memory_space<vmem>>) dst(%dma_wait3A_48 : memref<10240x96xf32, #tpu.memory_space<vmem_shared>>)
        tpu.yield
      }) : () -> ()
    }
    %scan3A_20 = arith.constant 50 : i32
    %barrier3A_21 = arith.constant 0 : index
    tpu.barrier barrier_id(%barrier3A_21)
    "tpu.region"() ({
      %run_scoped3A = tpu.sem_alloc : memref<!tpu.dma_semaphore, #tpu.memory_space<semaphore_mem>>
      %dma_start3A = arith.constant 0 : i32
      %dma_start3A_22 = tpu.memref_slice %arg4[%arg0, %mul3A_5, %dma_start3A] : memref<2x10240x96xf32, #tpu.memory_space<hbm>> -> memref<1x640x96xf32, #tpu.memory_space<hbm>>
      %dma_start3A_23 = tpu.memref_squeeze %dma_start3A_22 : memref<1x640x96xf32, #tpu.memory_space<hbm>> -> memref<640x96xf32, #tpu.memory_space<hbm>>
      %dma_start3A_24 = arith.constant 0 : i32
      %dma_start3A_25 = tpu.memref_slice %arg8[%mul3A_5, %dma_start3A_24] : memref<10240x96xf32, #tpu.memory_space<vmem_shared>> -> memref<640x96xf32, #tpu.memory_space<vmem_shared>>
      tpu.enqueue_dma source(%dma_start3A_25 : memref<640x96xf32, #tpu.memory_space<vmem_shared>>) target(%dma_start3A_23 : memref<640x96xf32, #tpu.memory_space<hbm>>) target_semaphore(%run_scoped3A : memref<!tpu.dma_semaphore, #tpu.memory_space<semaphore_mem>>)
      %dma_wait3A = arith.constant 0 : i32
      %dma_wait3A_26 = tpu.memref_slice %arg4[%arg0, %mul3A_5, %dma_wait3A] : memref<2x10240x96xf32, #tpu.memory_space<hbm>> -> memref<1x640x96xf32, #tpu.memory_space<hbm>>
      %dma_wait3A_27 = tpu.memref_squeeze %dma_wait3A_26 : memref<1x640x96xf32, #tpu.memory_space<hbm>> -> memref<640x96xf32, #tpu.memory_space<hbm>>
      %dma_wait3A_28 = arith.constant 0 : i32
      %dma_wait3A_29 = tpu.memref_slice %arg8[%mul3A_5, %dma_wait3A_28] : memref<10240x96xf32, #tpu.memory_space<vmem_shared>> -> memref<640x96xf32, #tpu.memory_space<vmem_shared>>
      tpu.wait_dma2 semaphore(%run_scoped3A : memref<!tpu.dma_semaphore, #tpu.memory_space<semaphore_mem>>) src(%dma_wait3A_29 : memref<640x96xf32, #tpu.memory_space<vmem_shared>>) dst(%dma_wait3A_27 : memref<640x96xf32, #tpu.memory_space<hbm>>)
      tpu.yield
    }) : () -> ()
    return
  }
}

module attributes {stable_mosaic.version = 14 : i64} {
  func.func @_edge_mlp(%arg0: i32, %arg1: memref<1x1x8000xi32, #tpu.memory_space<vmem>>, %arg2: memref<1x1x8000xi32, #tpu.memory_space<vmem>>, %arg3: memref<8000x48xf32, #tpu.memory_space<vmem>>, %arg4: memref<48x128xf32, #tpu.memory_space<vmem>>, %arg5: memref<1x128xf32, #tpu.memory_space<vmem>>, %arg6: memref<64x128xf32, #tpu.memory_space<vmem>>, %arg7: memref<128x128xf32, #tpu.memory_space<vmem>>, %arg8: memref<1x128xf32, #tpu.memory_space<vmem>>, %arg9: memref<128x128xf32, #tpu.memory_space<vmem>>, %arg10: memref<1x128xf32, #tpu.memory_space<vmem>>, %arg11: memref<128x16xf32, #tpu.memory_space<vmem>>, %arg12: memref<1x16xf32, #tpu.memory_space<vmem>>, %arg13: memref<16x48xf32, #tpu.memory_space<vmem>>, %arg14: memref<1x48xf32, #tpu.memory_space<vmem>>, %arg15: memref<2x8000x96xf32, #tpu.memory_space<vmem>>) attributes {dimension_semantics = [#tpu.dimension_semantics<arbitrary>], iteration_bounds = array<i64: 40>, scalar_prefetch = 0 : i64, scratch_operands = 0 : i64, tpu.core_type = #tpu.core_type<tc>, window_params = [{transform_indices = @transform_0, window_bounds = array<i64: 1, 1, 8000>}, {transform_indices = @transform_1, window_bounds = array<i64: 1, 1, 8000>}, {transform_indices = @transform_2, window_bounds = array<i64: 8000, 48>}, {pipeline_mode = #tpu.pipeline_mode<synchronous>, transform_indices = @transform_3, window_bounds = array<i64: 48, 128>}, {pipeline_mode = #tpu.pipeline_mode<synchronous>, transform_indices = @transform_4, window_bounds = array<i64: 1, 128>}, {pipeline_mode = #tpu.pipeline_mode<synchronous>, transform_indices = @transform_5, window_bounds = array<i64: 64, 128>}, {pipeline_mode = #tpu.pipeline_mode<synchronous>, transform_indices = @transform_6, window_bounds = array<i64: 128, 128>}, {pipeline_mode = #tpu.pipeline_mode<synchronous>, transform_indices = @transform_7, window_bounds = array<i64: 1, 128>}, {pipeline_mode = #tpu.pipeline_mode<synchronous>, transform_indices = @transform_8, window_bounds = array<i64: 128, 128>}, {pipeline_mode = #tpu.pipeline_mode<synchronous>, transform_indices = @transform_9, window_bounds = array<i64: 1, 128>}, {pipeline_mode = #tpu.pipeline_mode<synchronous>, transform_indices = @transform_10, window_bounds = array<i64: 128, 16>}, {pipeline_mode = #tpu.pipeline_mode<synchronous>, transform_indices = @transform_11, window_bounds = array<i64: 1, 16>}, {pipeline_mode = #tpu.pipeline_mode<synchronous>, transform_indices = @transform_12, window_bounds = array<i64: 16, 48>}, {pipeline_mode = #tpu.pipeline_mode<synchronous>, transform_indices = @transform_13, window_bounds = array<i64: 1, 48>}, {transform_indices = @transform_14, window_bounds = array<i64: 2, 8000, 96>}]} {
    %get3A = arith.constant 0 : index
    %get3A_0 = arith.constant 0 : index
    %get3A_1 = vector.load %arg3[%get3A, %get3A_0] : memref<8000x48xf32, #tpu.memory_space<vmem>>, vector<8000x48xf32>
    %mul3A = arith.mulf %get3A_1, %get3A_1 : vector<8000x48xf32>
    %get3A_2 = arith.constant 0 : index
    %get3A_3 = arith.constant 0 : index
    %get3A_4 = vector.load %arg4[%get3A_2, %get3A_3] : memref<48x128xf32, #tpu.memory_space<vmem>>, vector<48x128xf32>
    %dot_general3A = arith.constant dense<0.000000e+00> : vector<8000x128xf32>
    %dot_general3A_5 = tpu.matmul %mul3A, %get3A_4, %dot_general3A {dimension_numbers = #tpu.dot_dimension_numbers<[1], [0], [0], [1], [0, 0, 1, 1], [], []>, transpose_lhs_hint = false} : vector<8000x48xf32>, vector<48x128xf32>, vector<8000x128xf32> -> vector<8000x128xf32>
    %get3A_6 = arith.constant 0 : index
    %get3A_7 = arith.constant 0 : index
    %get3A_8 = vector.load %arg5[%get3A_6, %get3A_7] : memref<1x128xf32, #tpu.memory_space<vmem>>, vector<1x128xf32>
    %add3A = vector.broadcast %get3A_8 : vector<1x128xf32> to vector<8000x128xf32>
    %add3A_9 = arith.addf %dot_general3A_5, %add3A : vector<8000x128xf32>
    %neg3A = arith.constant 0.000000e+00 : f32
    %neg3A_10 = vector.broadcast %neg3A : f32 to vector<8000x128xf32>
    %neg3A_11 = arith.subf %neg3A_10, %add3A_9 : vector<8000x128xf32>
    %exp3A = math.exp %neg3A_11 : vector<8000x128xf32>
    %add3A_12 = arith.constant 1.000000e+00 : f32
    %add3A_13 = vector.broadcast %add3A_12 : f32 to vector<8000x128xf32>
    %add3A_14 = arith.addf %add3A_13, %exp3A : vector<8000x128xf32>
    %div3A = arith.constant 1.000000e+00 : f32
    %div3A_15 = vector.broadcast %div3A : f32 to vector<8000x128xf32>
    %div3A_16 = arith.divf %div3A_15, %add3A_14 : vector<8000x128xf32>
    %mul3A_17 = arith.mulf %add3A_9, %div3A_16 : vector<8000x128xf32>
    %iota3A = tpu.iota {dimensions = array<i32: 0>} : vector<64x8000xi32>
    %get3A_18 = arith.constant 0 : index
    %get3A_19 = arith.constant 0 : index
    %get3A_20 = arith.constant 0 : index
    %get3A_21 = vector.load %arg1[%get3A_18, %get3A_19, %get3A_20] : memref<1x1x8000xi32, #tpu.memory_space<vmem>>, vector<1x1x8000xi32>
    %get3A_22 = vector.shape_cast %get3A_21 : vector<1x1x8000xi32> to vector<1x8000xi32>
    %eq3A = vector.broadcast %get3A_22 : vector<1x8000xi32> to vector<64x8000xi32>
    %eq3A_23 = arith.cmpi eq, %iota3A, %eq3A : vector<64x8000xi32>
    %convert_element_type3A = arith.extui %eq3A_23 : vector<64x8000xi1> to vector<64x8000xi32>
    %convert_element_type3A_24 = arith.sitofp %convert_element_type3A : vector<64x8000xi32> to vector<64x8000xf32>
    %get3A_25 = arith.constant 0 : index
    %get3A_26 = arith.constant 0 : index
    %get3A_27 = arith.constant 0 : index
    %get3A_28 = vector.load %arg2[%get3A_25, %get3A_26, %get3A_27] : memref<1x1x8000xi32, #tpu.memory_space<vmem>>, vector<1x1x8000xi32>
    %get3A_29 = vector.shape_cast %get3A_28 : vector<1x1x8000xi32> to vector<1x8000xi32>
    %add3A_30 = arith.constant 32 : i32
    %add3A_31 = vector.broadcast %add3A_30 : i32 to vector<1x8000xi32>
    %add3A_32 = arith.addi %get3A_29, %add3A_31 : vector<1x8000xi32>
    %eq3A_33 = vector.broadcast %add3A_32 : vector<1x8000xi32> to vector<64x8000xi32>
    %eq3A_34 = arith.cmpi eq, %iota3A, %eq3A_33 : vector<64x8000xi32>
    %convert_element_type3A_35 = arith.extui %eq3A_34 : vector<64x8000xi1> to vector<64x8000xi32>
    %convert_element_type3A_36 = arith.sitofp %convert_element_type3A_35 : vector<64x8000xi32> to vector<64x8000xf32>
    %add3A_37 = arith.addf %convert_element_type3A_24, %convert_element_type3A_36 : vector<64x8000xf32>
    %get3A_38 = arith.constant 0 : index
    %get3A_39 = arith.constant 0 : index
    %get3A_40 = vector.load %arg6[%get3A_38, %get3A_39] : memref<64x128xf32, #tpu.memory_space<vmem>>, vector<64x128xf32>
    %dot_general3A_41 = arith.constant dense<0.000000e+00> : vector<8000x128xf32>
    %dot_general3A_42 = tpu.matmul %add3A_37, %get3A_40, %dot_general3A_41 {dimension_numbers = #tpu.dot_dimension_numbers<[0], [0], [1], [1], [0, 1, 1, 1], [], []>, transpose_lhs_hint = false} : vector<64x8000xf32>, vector<64x128xf32>, vector<8000x128xf32> -> vector<8000x128xf32>
    %get3A_43 = arith.constant 0 : index
    %get3A_44 = arith.constant 0 : index
    %get3A_45 = vector.load %arg7[%get3A_43, %get3A_44] : memref<128x128xf32, #tpu.memory_space<vmem>>, vector<128x128xf32>
    %dot_general3A_46 = arith.constant dense<0.000000e+00> : vector<8000x128xf32>
    %dot_general3A_47 = tpu.matmul %mul3A_17, %get3A_45, %dot_general3A_46 {dimension_numbers = #tpu.dot_dimension_numbers<[1], [0], [0], [1], [0, 0, 1, 1], [], []>, transpose_lhs_hint = false} : vector<8000x128xf32>, vector<128x128xf32>, vector<8000x128xf32> -> vector<8000x128xf32>
    %add3A_48 = arith.addf %dot_general3A_42, %dot_general3A_47 : vector<8000x128xf32>
    %get3A_49 = arith.constant 0 : index
    %get3A_50 = arith.constant 0 : index
    %get3A_51 = vector.load %arg8[%get3A_49, %get3A_50] : memref<1x128xf32, #tpu.memory_space<vmem>>, vector<1x128xf32>
    %add3A_52 = vector.broadcast %get3A_51 : vector<1x128xf32> to vector<8000x128xf32>
    %add3A_53 = arith.addf %add3A_48, %add3A_52 : vector<8000x128xf32>
    %neg3A_54 = arith.constant 0.000000e+00 : f32
    %neg3A_55 = vector.broadcast %neg3A_54 : f32 to vector<8000x128xf32>
    %neg3A_56 = arith.subf %neg3A_55, %add3A_53 : vector<8000x128xf32>
    %exp3A_57 = math.exp %neg3A_56 : vector<8000x128xf32>
    %add3A_58 = arith.constant 1.000000e+00 : f32
    %add3A_59 = vector.broadcast %add3A_58 : f32 to vector<8000x128xf32>
    %add3A_60 = arith.addf %add3A_59, %exp3A_57 : vector<8000x128xf32>
    %div3A_61 = arith.constant 1.000000e+00 : f32
    %div3A_62 = vector.broadcast %div3A_61 : f32 to vector<8000x128xf32>
    %div3A_63 = arith.divf %div3A_62, %add3A_60 : vector<8000x128xf32>
    %mul3A_64 = arith.mulf %add3A_53, %div3A_63 : vector<8000x128xf32>
    %get3A_65 = arith.constant 0 : index
    %get3A_66 = arith.constant 0 : index
    %get3A_67 = vector.load %arg9[%get3A_65, %get3A_66] : memref<128x128xf32, #tpu.memory_space<vmem>>, vector<128x128xf32>
    %dot_general3A_68 = arith.constant dense<0.000000e+00> : vector<8000x128xf32>
    %dot_general3A_69 = tpu.matmul %mul3A_64, %get3A_67, %dot_general3A_68 {dimension_numbers = #tpu.dot_dimension_numbers<[1], [0], [0], [1], [0, 0, 1, 1], [], []>, transpose_lhs_hint = false} : vector<8000x128xf32>, vector<128x128xf32>, vector<8000x128xf32> -> vector<8000x128xf32>
    %get3A_70 = arith.constant 0 : index
    %get3A_71 = arith.constant 0 : index
    %get3A_72 = vector.load %arg10[%get3A_70, %get3A_71] : memref<1x128xf32, #tpu.memory_space<vmem>>, vector<1x128xf32>
    %add3A_73 = vector.broadcast %get3A_72 : vector<1x128xf32> to vector<8000x128xf32>
    %add3A_74 = arith.addf %dot_general3A_69, %add3A_73 : vector<8000x128xf32>
    %neg3A_75 = arith.constant 0.000000e+00 : f32
    %neg3A_76 = vector.broadcast %neg3A_75 : f32 to vector<8000x128xf32>
    %neg3A_77 = arith.subf %neg3A_76, %add3A_74 : vector<8000x128xf32>
    %exp3A_78 = math.exp %neg3A_77 : vector<8000x128xf32>
    %add3A_79 = arith.constant 1.000000e+00 : f32
    %add3A_80 = vector.broadcast %add3A_79 : f32 to vector<8000x128xf32>
    %add3A_81 = arith.addf %add3A_80, %exp3A_78 : vector<8000x128xf32>
    %div3A_82 = arith.constant 1.000000e+00 : f32
    %div3A_83 = vector.broadcast %div3A_82 : f32 to vector<8000x128xf32>
    %div3A_84 = arith.divf %div3A_83, %add3A_81 : vector<8000x128xf32>
    %mul3A_85 = arith.mulf %add3A_74, %div3A_84 : vector<8000x128xf32>
    %get3A_86 = arith.constant 0 : index
    %get3A_87 = arith.constant 0 : index
    %get3A_88 = vector.load %arg11[%get3A_86, %get3A_87] : memref<128x16xf32, #tpu.memory_space<vmem>>, vector<128x16xf32>
    %dot_general3A_89 = arith.constant dense<0.000000e+00> : vector<8000x16xf32>
    %dot_general3A_90 = tpu.matmul %mul3A_85, %get3A_88, %dot_general3A_89 {dimension_numbers = #tpu.dot_dimension_numbers<[1], [0], [0], [1], [0, 0, 1, 1], [], []>, transpose_lhs_hint = false} : vector<8000x128xf32>, vector<128x16xf32>, vector<8000x16xf32> -> vector<8000x16xf32>
    %get3A_91 = arith.constant 0 : index
    %get3A_92 = arith.constant 0 : index
    %get3A_93 = vector.load %arg12[%get3A_91, %get3A_92] : memref<1x16xf32, #tpu.memory_space<vmem>>, vector<1x16xf32>
    %add3A_94 = vector.broadcast %get3A_93 : vector<1x16xf32> to vector<8000x16xf32>
    %add3A_95 = arith.addf %dot_general3A_90, %add3A_94 : vector<8000x16xf32>
    %get3A_96 = arith.constant 0 : index
    %get3A_97 = arith.constant 0 : index
    %get3A_98 = vector.load %arg13[%get3A_96, %get3A_97] : memref<16x48xf32, #tpu.memory_space<vmem>>, vector<16x48xf32>
    %dot_general3A_99 = arith.constant dense<0.000000e+00> : vector<8000x48xf32>
    %dot_general3A_100 = tpu.matmul %add3A_95, %get3A_98, %dot_general3A_99 {dimension_numbers = #tpu.dot_dimension_numbers<[1], [0], [0], [1], [0, 0, 1, 1], [], []>, transpose_lhs_hint = false} : vector<8000x16xf32>, vector<16x48xf32>, vector<8000x48xf32> -> vector<8000x48xf32>
    %mul3A_101 = arith.mulf %get3A_1, %dot_general3A_100 : vector<8000x48xf32>
    %get3A_102 = arith.constant 0 : index
    %get3A_103 = arith.constant 0 : index
    %get3A_104 = vector.load %arg14[%get3A_102, %get3A_103] : memref<1x48xf32, #tpu.memory_space<vmem>>, vector<1x48xf32>
    %add3A_105 = vector.broadcast %get3A_104 : vector<1x48xf32> to vector<8000x48xf32>
    %add3A_106 = arith.addf %mul3A_101, %add3A_105 : vector<8000x48xf32>
    %slice3A = vector.extract_strided_slice %mul3A_85 {offsets = [0, 0], sizes = [8000, 64], strides = [1, 1]} : vector<8000x128xf32> to vector<8000x64xf32>
    %slice3A_107 = vector.extract_strided_slice %add3A_106 {offsets = [0, 0], sizes = [8000, 32], strides = [1, 1]} : vector<8000x48xf32> to vector<8000x32xf32>
    %concatenate3A = tpu.concatenate %slice3A, %slice3A_107 in 1 : vector<8000x64xf32>, vector<8000x32xf32> -> vector<8000x96xf32>
    %swap3A = arith.constant 0 : index
    %swap3A_108 = arith.constant 0 : index
    %swap3A_109 = arith.constant 0 : index
    %swap3A_110 = vector.load %arg15[%swap3A, %swap3A_108, %swap3A_109] : memref<2x8000x96xf32, #tpu.memory_space<vmem>>, vector<1x8000x96xf32>
    %swap3A_111 = vector.shape_cast %swap3A_110 : vector<1x8000x96xf32> to vector<8000x96xf32>
    %swap3A_112 = vector.shape_cast %concatenate3A : vector<8000x96xf32> to vector<1x8000x96xf32>
    tpu.vector_store %arg15[%swap3A, %swap3A_108, %swap3A_109], %swap3A_112 {strides = array<i32>} : memref<2x8000x96xf32, #tpu.memory_space<vmem>>, vector<1x8000x96xf32>,
    %slice3A_113 = vector.extract_strided_slice %mul3A_85 {offsets = [0, 64], sizes = [8000, 64], strides = [1, 1]} : vector<8000x128xf32> to vector<8000x64xf32>
    %slice3A_114 = vector.extract_strided_slice %add3A_106 {offsets = [0, 32], sizes = [8000, 16], strides = [1, 1]} : vector<8000x48xf32> to vector<8000x16xf32>
    %broadcast_in_dim3A = arith.constant 0.000000e+00 : f32
    %broadcast_in_dim3A_115 = vector.broadcast %broadcast_in_dim3A : f32 to vector<8000x16xf32>
    %concatenate3A_116 = tpu.concatenate %slice3A_113, %slice3A_114, %broadcast_in_dim3A_115 in 1 : vector<8000x64xf32>, vector<8000x16xf32>, vector<8000x16xf32> -> vector<8000x96xf32>
    %swap3A_117 = arith.constant 1 : index
    %swap3A_118 = arith.constant 0 : index
    %swap3A_119 = arith.constant 0 : index
    %swap3A_120 = vector.load %arg15[%swap3A_117, %swap3A_118, %swap3A_119] : memref<2x8000x96xf32, #tpu.memory_space<vmem>>, vector<1x8000x96xf32>
    %swap3A_121 = vector.shape_cast %swap3A_120 : vector<1x8000x96xf32> to vector<8000x96xf32>
    %swap3A_122 = vector.shape_cast %concatenate3A_116 : vector<8000x96xf32> to vector<1x8000x96xf32>
    tpu.vector_store %arg15[%swap3A_117, %swap3A_118, %swap3A_119], %swap3A_122 {strides = array<i32>} : memref<2x8000x96xf32, #tpu.memory_space<vmem>>, vector<1x8000x96xf32>,
    return
  }
  func.func @transform_0(%arg0: i32) -> (i32, i32, i32) {
    %c0_i32 = arith.constant 0 : i32
    %c0_i32_0 = arith.constant 0 : i32
    %c0_i32_1 = arith.constant 0 : i32
    return %arg0, %c0_i32, %c0_i32_0 : i32, i32, i32
  }
  func.func @transform_1(%arg0: i32) -> (i32, i32, i32) {
    %c0_i32 = arith.constant 0 : i32
    %c0_i32_0 = arith.constant 0 : i32
    %c0_i32_1 = arith.constant 0 : i32
    return %arg0, %c0_i32, %c0_i32_0 : i32, i32, i32
  }
  func.func @transform_2(%arg0: i32) -> (i32, i32) {
    %c0_i32 = arith.constant 0 : i32
    %c0_i32_0 = arith.constant 0 : i32
    return %arg0, %c0_i32 : i32, i32
  }
  func.func @transform_3(%arg0: i32) -> (i32, i32) {
    %c0_i32 = arith.constant 0 : i32
    %c0_i32_0 = arith.constant 0 : i32
    %c0_i32_1 = arith.constant 0 : i32
    return %c0_i32, %c0_i32_0 : i32, i32
  }
  func.func @transform_4(%arg0: i32) -> (i32, i32) {
    %c0_i32 = arith.constant 0 : i32
    %c0_i32_0 = arith.constant 0 : i32
    %c0_i32_1 = arith.constant 0 : i32
    return %c0_i32, %c0_i32_0 : i32, i32
  }
  func.func @transform_5(%arg0: i32) -> (i32, i32) {
    %c0_i32 = arith.constant 0 : i32
    %c0_i32_0 = arith.constant 0 : i32
    %c0_i32_1 = arith.constant 0 : i32
    return %c0_i32, %c0_i32_0 : i32, i32
  }
  func.func @transform_6(%arg0: i32) -> (i32, i32) {
    %c0_i32 = arith.constant 0 : i32
    %c0_i32_0 = arith.constant 0 : i32
    %c0_i32_1 = arith.constant 0 : i32
    return %c0_i32, %c0_i32_0 : i32, i32
  }
  func.func @transform_7(%arg0: i32) -> (i32, i32) {
    %c0_i32 = arith.constant 0 : i32
    %c0_i32_0 = arith.constant 0 : i32
    %c0_i32_1 = arith.constant 0 : i32
    return %c0_i32, %c0_i32_0 : i32, i32
  }
  func.func @transform_8(%arg0: i32) -> (i32, i32) {
    %c0_i32 = arith.constant 0 : i32
    %c0_i32_0 = arith.constant 0 : i32
    %c0_i32_1 = arith.constant 0 : i32
    return %c0_i32, %c0_i32_0 : i32, i32
  }
  func.func @transform_9(%arg0: i32) -> (i32, i32) {
    %c0_i32 = arith.constant 0 : i32
    %c0_i32_0 = arith.constant 0 : i32
    %c0_i32_1 = arith.constant 0 : i32
    return %c0_i32, %c0_i32_0 : i32, i32
  }
  func.func @transform_10(%arg0: i32) -> (i32, i32) {
    %c0_i32 = arith.constant 0 : i32
    %c0_i32_0 = arith.constant 0 : i32
    %c0_i32_1 = arith.constant 0 : i32
    return %c0_i32, %c0_i32_0 : i32, i32
  }
  func.func @transform_11(%arg0: i32) -> (i32, i32) {
    %c0_i32 = arith.constant 0 : i32
    %c0_i32_0 = arith.constant 0 : i32
    %c0_i32_1 = arith.constant 0 : i32
    return %c0_i32, %c0_i32_0 : i32, i32
  }
  func.func @transform_12(%arg0: i32) -> (i32, i32) {
    %c0_i32 = arith.constant 0 : i32
    %c0_i32_0 = arith.constant 0 : i32
    %c0_i32_1 = arith.constant 0 : i32
    return %c0_i32, %c0_i32_0 : i32, i32
  }
  func.func @transform_13(%arg0: i32) -> (i32, i32) {
    %c0_i32 = arith.constant 0 : i32
    %c0_i32_0 = arith.constant 0 : i32
    %c0_i32_1 = arith.constant 0 : i32
    return %c0_i32, %c0_i32_0 : i32, i32
  }
  func.func @transform_14(%arg0: i32) -> (i32, i32, i32) {
    %c0_i32 = arith.constant 0 : i32
    %c0_i32_0 = arith.constant 0 : i32
    %c0_i32_1 = arith.constant 0 : i32
    return %c0_i32, %arg0, %c0_i32_0 : i32, i32, i32
  }
}

module attributes {stable_mosaic.version = 14 : i64} {
  func.func @_node_update(%arg0: i32, %arg1: memref<1x1x2000xi32, #tpu.memory_space<vmem>>, %arg2: memref<2000x48xf32, #tpu.memory_space<vmem>>, %arg3: memref<32x128xf32, #tpu.memory_space<vmem>>, %arg4: memref<2x2000x96xf32, #tpu.memory_space<vmem>>, %arg5: memref<128x128xf32, #tpu.memory_space<vmem>>, %arg6: memref<128x128xf32, #tpu.memory_space<vmem>>, %arg7: memref<1x128xf32, #tpu.memory_space<vmem>>, %arg8: memref<128x32xf32, #tpu.memory_space<vmem>>, %arg9: memref<1x32xf32, #tpu.memory_space<vmem>>, %arg10: memref<2000x25xf32, #tpu.memory_space<vmem>>, %arg11: memref<2000x42xf32, #tpu.memory_space<vmem>>) attributes {dimension_semantics = [#tpu.dimension_semantics<arbitrary>], iteration_bounds = array<i64: 5>, scalar_prefetch = 0 : i64, scratch_operands = 0 : i64, tpu.core_type = #tpu.core_type<tc>, window_params = [{transform_indices = @transform_0, window_bounds = array<i64: 1, 1, 2000>}, {transform_indices = @transform_1, window_bounds = array<i64: 2000, 48>}, {pipeline_mode = #tpu.pipeline_mode<synchronous>, transform_indices = @transform_2, window_bounds = array<i64: 32, 128>}, {transform_indices = @transform_3, window_bounds = array<i64: 2, 2000, 96>}, {pipeline_mode = #tpu.pipeline_mode<synchronous>, transform_indices = @transform_4, window_bounds = array<i64: 128, 128>}, {pipeline_mode = #tpu.pipeline_mode<synchronous>, transform_indices = @transform_5, window_bounds = array<i64: 128, 128>}, {pipeline_mode = #tpu.pipeline_mode<synchronous>, transform_indices = @transform_6, window_bounds = array<i64: 1, 128>}, {pipeline_mode = #tpu.pipeline_mode<synchronous>, transform_indices = @transform_7, window_bounds = array<i64: 128, 32>}, {pipeline_mode = #tpu.pipeline_mode<synchronous>, transform_indices = @transform_8, window_bounds = array<i64: 1, 32>}, {transform_indices = @transform_9, window_bounds = array<i64: 2000, 25>}, {transform_indices = @transform_10, window_bounds = array<i64: 2000, 42>}]} {
    %iota3A = tpu.iota {dimensions = array<i32: 0>} : vector<32x2000xi32>
    %get3A = arith.constant 0 : index
    %get3A_0 = arith.constant 0 : index
    %get3A_1 = arith.constant 0 : index
    %get3A_2 = vector.load %arg1[%get3A, %get3A_0, %get3A_1] : memref<1x1x2000xi32, #tpu.memory_space<vmem>>, vector<1x1x2000xi32>
    %get3A_3 = vector.shape_cast %get3A_2 : vector<1x1x2000xi32> to vector<1x2000xi32>
    %eq3A = vector.broadcast %get3A_3 : vector<1x2000xi32> to vector<32x2000xi32>
    %eq3A_4 = arith.cmpi eq, %iota3A, %eq3A : vector<32x2000xi32>
    %convert_element_type3A = arith.extui %eq3A_4 : vector<32x2000xi1> to vector<32x2000xi32>
    %convert_element_type3A_5 = arith.sitofp %convert_element_type3A : vector<32x2000xi32> to vector<32x2000xf32>
    %get3A_6 = arith.constant 0 : index
    %get3A_7 = arith.constant 0 : index
    %get3A_8 = vector.load %arg3[%get3A_6, %get3A_7] : memref<32x128xf32, #tpu.memory_space<vmem>>, vector<32x128xf32>
    %dot_general3A = arith.constant dense<0.000000e+00> : vector<2000x128xf32>
    %dot_general3A_9 = tpu.matmul %convert_element_type3A_5, %get3A_8, %dot_general3A {dimension_numbers = #tpu.dot_dimension_numbers<[0], [0], [1], [1], [0, 1, 1, 1], [], []>, transpose_lhs_hint = false} : vector<32x2000xf32>, vector<32x128xf32>, vector<2000x128xf32> -> vector<2000x128xf32>
    %get3A_10 = arith.constant 0 : index
    %get3A_11 = arith.constant 0 : index
    %get3A_12 = arith.constant 0 : index
    %get3A_13 = vector.load %arg4[%get3A_10, %get3A_11, %get3A_12] : memref<2x2000x96xf32, #tpu.memory_space<vmem>>, vector<1x2000x96xf32>
    %get3A_14 = vector.shape_cast %get3A_13 : vector<1x2000x96xf32> to vector<2000x96xf32>
    %get3A_15 = arith.constant 1 : index
    %get3A_16 = arith.constant 0 : index
    %get3A_17 = arith.constant 0 : index
    %get3A_18 = vector.load %arg4[%get3A_15, %get3A_16, %get3A_17] : memref<2x2000x96xf32, #tpu.memory_space<vmem>>, vector<1x2000x96xf32>
    %get3A_19 = vector.shape_cast %get3A_18 : vector<1x2000x96xf32> to vector<2000x96xf32>
    %slice3A = vector.extract_strided_slice %get3A_14 {offsets = [0, 0], sizes = [2000, 64], strides = [1, 1]} : vector<2000x96xf32> to vector<2000x64xf32>
    %slice3A_20 = vector.extract_strided_slice %get3A_19 {offsets = [0, 0], sizes = [2000, 64], strides = [1, 1]} : vector<2000x96xf32> to vector<2000x64xf32>
    %concatenate3A = tpu.concatenate %slice3A, %slice3A_20 in 1 : vector<2000x64xf32>, vector<2000x64xf32> -> vector<2000x128xf32>
    %get3A_21 = arith.constant 0 : index
    %get3A_22 = arith.constant 0 : index
    %get3A_23 = vector.load %arg5[%get3A_21, %get3A_22] : memref<128x128xf32, #tpu.memory_space<vmem>>, vector<128x128xf32>
    %dot_general3A_24 = arith.constant dense<0.000000e+00> : vector<2000x128xf32>
    %dot_general3A_25 = tpu.matmul %dot_general3A_9, %get3A_23, %dot_general3A_24 {dimension_numbers = #tpu.dot_dimension_numbers<[1], [0], [0], [1], [0, 0, 1, 1], [], []>, transpose_lhs_hint = false} : vector<2000x128xf32>, vector<128x128xf32>, vector<2000x128xf32> -> vector<2000x128xf32>
    %get3A_26 = arith.constant 0 : index
    %get3A_27 = arith.constant 0 : index
    %get3A_28 = vector.load %arg6[%get3A_26, %get3A_27] : memref<128x128xf32, #tpu.memory_space<vmem>>, vector<128x128xf32>
    %dot_general3A_29 = arith.constant dense<0.000000e+00> : vector<2000x128xf32>
    %dot_general3A_30 = tpu.matmul %concatenate3A, %get3A_28, %dot_general3A_29 {dimension_numbers = #tpu.dot_dimension_numbers<[1], [0], [0], [1], [0, 0, 1, 1], [], []>, transpose_lhs_hint = false} : vector<2000x128xf32>, vector<128x128xf32>, vector<2000x128xf32> -> vector<2000x128xf32>
    %add3A = arith.addf %dot_general3A_25, %dot_general3A_30 : vector<2000x128xf32>
    %get3A_31 = arith.constant 0 : index
    %get3A_32 = arith.constant 0 : index
    %get3A_33 = vector.load %arg7[%get3A_31, %get3A_32] : memref<1x128xf32, #tpu.memory_space<vmem>>, vector<1x128xf32>
    %add3A_34 = vector.broadcast %get3A_33 : vector<1x128xf32> to vector<2000x128xf32>
    %add3A_35 = arith.addf %add3A, %add3A_34 : vector<2000x128xf32>
    %neg3A = arith.constant 0.000000e+00 : f32
    %neg3A_36 = vector.broadcast %neg3A : f32 to vector<2000x128xf32>
    %neg3A_37 = arith.subf %neg3A_36, %add3A_35 : vector<2000x128xf32>
    %exp3A = math.exp %neg3A_37 : vector<2000x128xf32>
    %add3A_38 = arith.constant 1.000000e+00 : f32
    %add3A_39 = vector.broadcast %add3A_38 : f32 to vector<2000x128xf32>
    %add3A_40 = arith.addf %add3A_39, %exp3A : vector<2000x128xf32>
    %div3A = arith.constant 1.000000e+00 : f32
    %div3A_41 = vector.broadcast %div3A : f32 to vector<2000x128xf32>
    %div3A_42 = arith.divf %div3A_41, %add3A_40 : vector<2000x128xf32>
    %mul3A = arith.mulf %add3A_35, %div3A_42 : vector<2000x128xf32>
    %add3A_43 = arith.addf %dot_general3A_9, %mul3A : vector<2000x128xf32>
    %get3A_44 = arith.constant 0 : index
    %get3A_45 = arith.constant 0 : index
    %get3A_46 = vector.load %arg8[%get3A_44, %get3A_45] : memref<128x32xf32, #tpu.memory_space<vmem>>, vector<128x32xf32>
    %dot_general3A_47 = arith.constant dense<0.000000e+00> : vector<2000x32xf32>
    %dot_general3A_48 = tpu.matmul %add3A_43, %get3A_46, %dot_general3A_47 {dimension_numbers = #tpu.dot_dimension_numbers<[1], [0], [0], [1], [0, 0, 1, 1], [], []>, transpose_lhs_hint = false} : vector<2000x128xf32>, vector<128x32xf32>, vector<2000x32xf32> -> vector<2000x32xf32>
    %get3A_49 = arith.constant 0 : index
    %get3A_50 = arith.constant 0 : index
    %get3A_51 = vector.load %arg9[%get3A_49, %get3A_50] : memref<1x32xf32, #tpu.memory_space<vmem>>, vector<1x32xf32>
    %add3A_52 = vector.broadcast %get3A_51 : vector<1x32xf32> to vector<2000x32xf32>
    %add3A_53 = arith.addf %dot_general3A_48, %add3A_52 : vector<2000x32xf32>
    %slice3A_54 = vector.extract_strided_slice %add3A_53 {offsets = [0, 0], sizes = [2000, 25], strides = [1, 1]} : vector<2000x32xf32> to vector<2000x25xf32>
    %swap3A = arith.constant 0 : index
    %swap3A_55 = arith.constant 0 : index
    %swap3A_56 = vector.load %arg10[%swap3A, %swap3A_55] : memref<2000x25xf32, #tpu.memory_space<vmem>>, vector<2000x25xf32>
    tpu.vector_store %arg10[%swap3A, %swap3A_55], %slice3A_54 {strides = array<i32>} : memref<2000x25xf32, #tpu.memory_space<vmem>>, vector<2000x25xf32>,
    %slice3A_57 = vector.extract_strided_slice %get3A_14 {offsets = [0, 64], sizes = [2000, 32], strides = [1, 1]} : vector<2000x96xf32> to vector<2000x32xf32>
    %slice3A_58 = vector.extract_strided_slice %get3A_19 {offsets = [0, 64], sizes = [2000, 16], strides = [1, 1]} : vector<2000x96xf32> to vector<2000x16xf32>
    %concatenate3A_59 = tpu.concatenate %slice3A_57, %slice3A_58 in 1 : vector<2000x32xf32>, vector<2000x16xf32> -> vector<2000x48xf32>
    %slice3A_60 = vector.extract_strided_slice %concatenate3A_59 {offsets = [0, 42], sizes = [2000, 1], strides = [1, 1]} : vector<2000x48xf32> to vector<2000x1xf32>
    %get3A_61 = arith.constant 0 : index
    %get3A_62 = arith.constant 0 : index
    %get3A_63 = vector.load %arg2[%get3A_61, %get3A_62] : memref<2000x48xf32, #tpu.memory_space<vmem>>, vector<2000x48xf32>
    %add3A_64 = arith.constant 1.000000e+00 : f32
    %add3A_65 = vector.broadcast %add3A_64 : f32 to vector<2000x1xf32>
    %add3A_66 = arith.addf %slice3A_60, %add3A_65 : vector<2000x1xf32>
    %div3A_67 = arith.constant 1.000000e+00 : f32
    %div3A_68 = vector.broadcast %div3A_67 : f32 to vector<2000x1xf32>
    %div3A_69 = arith.divf %div3A_68, %add3A_66 : vector<2000x1xf32>
    %mul3A_70 = vector.broadcast %div3A_69 : vector<2000x1xf32> to vector<2000x48xf32>
    %mul3A_71 = arith.mulf %concatenate3A_59, %mul3A_70 : vector<2000x48xf32>
    %add3A_72 = arith.addf %get3A_63, %mul3A_71 : vector<2000x48xf32>
    %slice3A_73 = vector.extract_strided_slice %add3A_72 {offsets = [0, 0], sizes = [2000, 42], strides = [1, 1]} : vector<2000x48xf32> to vector<2000x42xf32>
    %swap3A_74 = arith.constant 0 : index
    %swap3A_75 = arith.constant 0 : index
    %swap3A_76 = vector.load %arg11[%swap3A_74, %swap3A_75] : memref<2000x42xf32, #tpu.memory_space<vmem>>, vector<2000x42xf32>
    tpu.vector_store %arg11[%swap3A_74, %swap3A_75], %slice3A_73 {strides = array<i32>} : memref<2000x42xf32, #tpu.memory_space<vmem>>, vector<2000x42xf32>,
    return
  }
  func.func @transform_0(%arg0: i32) -> (i32, i32, i32) {
    %c0_i32 = arith.constant 0 : i32
    %c0_i32_0 = arith.constant 0 : i32
    %c0_i32_1 = arith.constant 0 : i32
    return %arg0, %c0_i32, %c0_i32_0 : i32, i32, i32
  }
  func.func @transform_1(%arg0: i32) -> (i32, i32) {
    %c0_i32 = arith.constant 0 : i32
    %c0_i32_0 = arith.constant 0 : i32
    return %arg0, %c0_i32 : i32, i32
  }
  func.func @transform_2(%arg0: i32) -> (i32, i32) {
    %c0_i32 = arith.constant 0 : i32
    %c0_i32_0 = arith.constant 0 : i32
    %c0_i32_1 = arith.constant 0 : i32
    return %c0_i32, %c0_i32_0 : i32, i32
  }
  func.func @transform_3(%arg0: i32) -> (i32, i32, i32) {
    %c0_i32 = arith.constant 0 : i32
    %c0_i32_0 = arith.constant 0 : i32
    %c0_i32_1 = arith.constant 0 : i32
    return %c0_i32, %arg0, %c0_i32_0 : i32, i32, i32
  }
  func.func @transform_4(%arg0: i32) -> (i32, i32) {
    %c0_i32 = arith.constant 0 : i32
    %c0_i32_0 = arith.constant 0 : i32
    %c0_i32_1 = arith.constant 0 : i32
    return %c0_i32, %c0_i32_0 : i32, i32
  }
  func.func @transform_5(%arg0: i32) -> (i32, i32) {
    %c0_i32 = arith.constant 0 : i32
    %c0_i32_0 = arith.constant 0 : i32
    %c0_i32_1 = arith.constant 0 : i32
    return %c0_i32, %c0_i32_0 : i32, i32
  }
  func.func @transform_6(%arg0: i32) -> (i32, i32) {
    %c0_i32 = arith.constant 0 : i32
    %c0_i32_0 = arith.constant 0 : i32
    %c0_i32_1 = arith.constant 0 : i32
    return %c0_i32, %c0_i32_0 : i32, i32
  }
  func.func @transform_7(%arg0: i32) -> (i32, i32) {
    %c0_i32 = arith.constant 0 : i32
    %c0_i32_0 = arith.constant 0 : i32
    %c0_i32_1 = arith.constant 0 : i32
    return %c0_i32, %c0_i32_0 : i32, i32
  }
  func.func @transform_8(%arg0: i32) -> (i32, i32) {
    %c0_i32 = arith.constant 0 : i32
    %c0_i32_0 = arith.constant 0 : i32
    %c0_i32_1 = arith.constant 0 : i32
    return %c0_i32, %c0_i32_0 : i32, i32
  }
  func.func @transform_9(%arg0: i32) -> (i32, i32) {
    %c0_i32 = arith.constant 0 : i32
    %c0_i32_0 = arith.constant 0 : i32
    return %arg0, %c0_i32 : i32, i32
  }
  func.func @transform_10(%arg0: i32) -> (i32, i32) {
    %c0_i32 = arith.constant 0 : i32
    %c0_i32_0 = arith.constant 0 : i32
    return %arg0, %c0_i32 : i32, i32
  }
}

</mosaic_0001>

<sc_bundles>
// kernel: kernel.6.cloned.1.call-start
scs
__scs_entry_jumppad:
0x0: {  	(pc) =	sbr.rel $0x88, $3  }
0x1: {  	(tag) =	ssettag $0x0;
	lr =	simm.s32 $0x1  }
0x2: {  	[smem:$0x3F91] =	sst lr;
	_ =	strace $0xD0000000  }
0x3: {  	_ = 	snop  }
0x4: {  	_ = 	snop  }
0x5: {  	_ = 	snop  }
0x6: {  	_ = 	snop  }
0x7: {  	_ = 	snop  }
__scs_overlays_trampoline_lowered:
0x8: {  	[smem:$0x3FA0] =	sst s0  }
0x9: {  	[smem:$0x3FA1] =	sst s1  }
0xa: {  	[smem:$0x3FA2] =	sst s2  }
0xb: {  	[smem:$0x3FA3] =	sst s3  }
0xc: {  	[smem:$0x3FA4] =	sst s4  }
0xd: {  	[smem:$0x3FA5] =	sst s5  }
0xe: {  	[smem:$0x3FA6] =	sst s6  }
0xf: {  	[smem:$0x3FA7] =	sst s7  }
0x10: {  	[smem:$0x3FA8] =	sst s8  }
0x11: {  	[smem:$0x3FA9] =	sst s9;
	s0 =	simm.s32 @!p0 $0x0  }
0x12: {  	s1 =	sld [smem:$0x3F8F];
	s0 =	simm.s32 @p0 $0x1  }
0x13: {  	[smem:$0x3FAA] =	sst s0;
	s0 =	simm.s32 @!p1 $0x0  }
0x14: {  	s2 =	sld [smem:$0x3F8E];
	s0 =	simm.s32 @p1 $0x1  }
0x15: {  	[smem:$0x3FAB] =	sst s0;
	s0 =	simm.s32 @!p2 $0x0  }
0x16: {  	s3 =	sld [smem:$0x3FDB];
	s0 =	simm.s32 @p2 $0x1  }
0x17: {  	s4 =	simm.s32 $0x1BF5;
	[smem:$0x3FAD] =	sst s0  }
0x18: {  	s0 =	sld [smem:$0x3F90];
	_ =	swait.ge [sflag:s4], $0x0  }
0x19: {  	s7 =	sld [smem:$0x3F91]  }
0x1a: {  	s8 =	sadd.s32 $0xFFFFE003, lr  }
0x1b: {  	s9 =	sadd.s32 $0xFFFFFEF7, lr;
	s5 =	simm.s32 $0xFFFFFFFF;
	p2 =	slt.u32 s8, $0xFFFFF086  }
0x1c: {  	p1 =	slt.u32 s9, $0xF7A;
	s5 =	simm.s32 @!p2 $0x0  }
0x1d: {  	s5 =	simm.s32 @p1 $0x1;
	p0 =	seq.s32 s7, s2  }
0x1e: {  	s7 =	smul.u32 @!p0 $0xF7A, s2;
	p2 =	seq.s32 @!p0 s5, $0x0  }
0x1f: {  	s9 =	smul.u32 $0xF7A, s1;
	s8 =	simm.s32 @!p0 $0x1BF5;
	p2 =	por !p2, p0  }
0x20: {  	[sflag:s8] =	ssyncset.s32 @!p0 $0xFFFFF086;
	s6 =	sadd.s32 @!p0 s3, s7;
	s7 =	simm.s32 @!p0 $0x108  }
0x21: {  	s3 =	sadd.s32 s3, s9;
	s6 =	sadd.s32 @!p0 $0x88, s6;
	s7 =	simm.s32 @p2 $0x1082  }
0x22: {  	[simem:s7], [sflag:s8] =	dma.local @!p0 [hbm:s6], $0xF7A  }
0x23: {  	s9 =	sor.u32 $0xD0000000, s2;
	s6 =	simm.s32 $0x108;
	_ =	swait.ge @!p0 [sflag:s8], $0x0  }
0x24: {  	s3 =	sadd.s32 $0x88, s3;
	s6 =	simm.s32 @!p1 $0x1082;
	[sflag:s4] =	ssyncset.s32 $0xFFFFF086  }
0x25: {  	[simem:s6], [sflag:s4] =	dma.local [hbm:s3], $0xF7A  }
0x26: {  	[smem:$0x3F91] =	sst s1;
	(tag) =	ssettag s2;
	_ =	strace s9  }
0x27: {  	s1 =	sld [smem:$0x3FA1]  }
0x28: {  	s2 =	sld [smem:$0x3FA2]  }
0x29: {  	s4 =	sld [smem:$0x3FA4]  }
0x2a: {  	p0 =	seq.s32 s5, $0x0;
	s5 =	sld [smem:$0x3FA5]  }
0x2b: {  	s6 =	sld [smem:$0x3FA6]  }
0x2c: {  	s7 =	sld [smem:$0x3FA7]  }
0x2d: {  	s3 =	simm.s32 $0x108;
	s8 =	sld [smem:$0x3FA8]  }
0x2e: {  	s3 =	simm.s32 @!p0 $0x1082;
	s9 =	sld [smem:$0x3FA9]  }
0x2f: {  	lr =	sadd.s32 s0, s3;
	s0 =	sld [smem:$0x3FA0]  }
0x30: {  	s3 =	sld [smem:$0x3FA3]  }
0x31: {  	[smem:$0x3FAC] =	sst s10  }
0x32: {  	s10 =	sld [smem:$0x3FAA];
	_ =	sdelay $0x3  }
0x33: {  	p0 =	seq.s32 s10, $0x1;
	s10 =	sld [smem:$0x3FAC];
	_ =	sdelay $0x3  }
0x34: {  	[smem:$0x3FAC] =	sst s10  }
0x35: {  	s10 =	sld [smem:$0x3FAB];
	_ =	sdelay $0x3  }
0x36: {  	p1 =	seq.s32 s10, $0x1;
	s10 =	sld [smem:$0x3FAC];
	_ =	sdelay $0x3  }
0x37: {  	[smem:$0x3FAC] =	sst s10  }
0x38: {  	s10 =	sld [smem:$0x3FAD]  }
0x39: {  	_ = 	snop;
	(pc) =	sbr.ind lr, $3  }
0x3a: {  	_ = 	snop  }
0x3b: {  	_ = 	snop  }
0x3c: {  	p2 =	seq.s32 s10, $0x1;
	s10 =	sld [smem:$0x3FAC]  }
0x3d: {  	_ =	shalt  }
0x3e: {  	_ =	shalt  }
0x3f: {  	_ =	shalt  }
0x40: {  	_ =	shalt  }
0x41: {  	_ =	shalt  }
0x42: {  	_ =	shalt  }
0x43: {  	_ =	shalt  }
0x44: {  	_ =	shalt  }
0x45: {  	_ =	shalt  }
0x46: {  	_ =	shalt  }
0x47: {  	_ =	shalt  }
0x48: {  	_ =	shalt  }
0x49: {  	_ =	shalt  }
0x4a: {  	_ =	shalt  }
0x4b: {  	_ =	shalt  }
0x4c: {  	_ =	shalt  }
0x4d: {  	_ =	shalt  }
0x4e: {  	_ =	shalt  }
0x4f: {  	_ =	shalt  }
0x50: {  	_ =	shalt  }
0x51: {  	_ =	shalt  }
0x52: {  	_ =	shalt  }
0x53: {  	_ =	shalt  }
0x54: {  	_ =	shalt  }
0x55: {  	_ =	shalt  }
0x56: {  	_ =	shalt  }
0x57: {  	_ =	shalt  }
0x58: {  	_ =	shalt  }
0x59: {  	_ =	shalt  }
0x5a: {  	_ =	shalt  }
0x5b: {  	_ =	shalt  }
0x5c: {  	_ =	shalt  }
0x5d: {  	_ =	shalt  }
0x5e: {  	_ =	shalt  }
0x5f: {  	_ =	shalt  }
0x60: {  	_ =	shalt  }
0x61: {  	_ =	shalt  }
0x62: {  	_ =	shalt  }
0x63: {  	_ =	shalt  }
0x64: {  	_ =	shalt  }
0x65: {  	_ =	shalt  }
0x66: {  	_ =	shalt  }
0x67: {  	_ =	shalt  }
0x68: {  	_ =	shalt  }
0x69: {  	_ =	shalt  }
0x6a: {  	_ =	shalt  }
0x6b: {  	_ =	shalt  }
0x6c: {  	_ =	shalt  }
0x6d: {  	_ =	shalt  }
0x6e: {  	_ =	shalt  }
0x6f: {  	_ =	shalt  }
0x70: {  	_ =	shalt  }
0x71: {  	_ =	shalt  }
0x72: {  	_ =	shalt  }
0x73: {  	_ =	shalt  }
0x74: {  	_ =	shalt  }
0x75: {  	_ =	shalt  }
0x76: {  	_ =	shalt  }
0x77: {  	_ =	shalt  }
0x78: {  	_ =	shalt  }
0x79: {  	_ =	shalt  }
0x7a: {  	_ =	shalt  }
0x7b: {  	_ =	shalt  }
0x7c: {  	_ =	shalt  }
0x7d: {  	_ =	shalt  }
0x7e: {  	_ =	shalt  }
0x7f: {  	_ =	shalt  }
0x80: {  	_ =	shalt  }
0x81: {  	_ =	shalt  }
0x82: {  	_ =	shalt  }
0x83: {  	_ =	shalt  }
0x84: {  	_ =	shalt  }
0x85: {  	_ =	shalt  }
0x86: {  	_ =	shalt  }
0x87: {  	_ =	shalt  }
.Lfunc_end0:
.L_simem_size_0:
called_computation_lowered:
.L_overlay_start_0:
0x88: {  	s2 =	sld [smem:$0x3FD9]  }
0x89: {  	s3 =	sld [smem:$0x3FFE];
	_ =	sdelay $0x1  }
0x8a: {  	s1 =	srdreg.scid  }
0x8b: {  	s0 =	sand.u32 $0x1, s1  }
0x8c: {  	s14 =	sshll.u32 s0, $0xA;
	s2 =	sadd.s32 s3, s2  }
0x8d: {  	s2 =	sadd.s32 s2, s14  }
0x8e: {  	[smem:$0x3FB8] =	sst s2  }
0x8f: {  	_ = 	snop  }
0x90: {  	s2 =	sld [smem:$0x3FD0];
	_ =	sdelay $0x2  }
0x91: {  	s4 =	simm.s32 $0xA;
	s5 =	simm.s32 $0x10;
	s15 =	sld [smem:$0x3FC8]  }
0x92: {  	[smem:s5], [sflag:s4] =	dma.local [hbm:s2], $0x1  }
0x93: {  	_ =	swait.eq [sflag:s4], $0x1  }
0x94: {  	[sflag:s4] =	ssyncset.done $0x0  }
0x95: {  	s16 =	sld [smem:$0x10];
	[sflag:s4] =	ssyncadd.s32 $0xFFFFFFFF  }
0x96: {  	s17 =	sld [smem:$0x11];
	(tm) =	ssettm $0x1  }
0x97: {  	s18 =	sld [smem:$0x3FFB];
	_ =	sdelay $0x3  }
0x98: {  	_ =	strace s18  }
0x99: {  	s5 =	sld [smem:$0x3FFC];
	_ =	sdelay $0x3  }
0x9a: {  	_ =	strace s5  }
0x9b: {  	s5 =	sld [smem:$0x3FFD];
	_ =	sdelay $0x3  }
0x9c: {  	_ =	strace s5  }
0x9d: {  	_ =	strace $0x8FFFFFFF  }
0x9e: {  	s19 =	sld [smem:$0x3FDB];
	_ =	sdelay $0x1  }
0x9f: {  	s6 =	simm.s32 $_scs_section_size  }
0xa0: {  	s7 =	simm.s32 $_size__tile_overlayer_lowered;
	s8 =	simm.s32 $_tile_overlayer_lowered  }
0xa1: {  	s22 =	simm.s32 $0x1BFF;
	s21 =	sshll.u32 s8, $0x1;
	s5 =	sadd.s32 s6, s19  }
0xa2: {  	s9 =	simm.s32 $0x0;
	s20 =	sshll.u32 s7, $0x1;
	s7 =	sadd.s32 s21, s5  }
0xa3: {  	[timem:s9], [sflag:s22] =	dma.local [hbm:s7], s20  }
0xa4: {  	_ =	swait.ge [sflag:s22], s20  }
0xa5: {  	s6 =	ssub.s32 $0x0, s20;
	[sflag:s22] =	ssyncset.done $0x0  }
0xa6: {  	[sflag:s22] =	ssyncadd.s32 s6;
	_ =	sdelay $0x1  }
0xa7: {  	s23 =	simm.s32 $0x1B8B  }
0xa8: {  	_ =	swait.ge [sflag:s23], $0x1  }
0xa9: {  	[sflag:s23] =	ssyncset.done $0x0  }
0xaa: {  	s25 =	simm.s32 $0x1B8E;
	s24 =	sld [smem:$0x3FFE];
	[sflag:s23] =	ssyncadd.s32 $0xFFFFFFFF  }
0xab: {  	s26 =	simm.s32 $execute0_lowered;
	[smem:$0x3FD2] =	sst s25  }
0xac: {  	s7 =	sshll.u32 s26, $0x1;
	_ =	strace $0x80000046;
	[dreg:$0x1] =	wrdreg $0xFFFFFFFF  }
0xad: {  	s28 =	simm.s32 $_size_execute0_lowered;
	s5 =	sadd.s32 s5, s7;
	[dreg:$0x0] =	wrdreg $0x0  }
0xae: {  	s7 =	sshll.u32 s28, $0x1;
	[dreg:$0x2] =	wrdreg s5  }
0xaf: {  	[dreg:$0x3] =	wrdreg s7  }
0xb0: {  	[dreg:$0x4] =	wrdreg $0xC0  }
0xb1: {  	_ =	task [dreg:s9], $0x5FFFF  }
0xb2: {  	[dreg:$0x1] =	wrdreg $0xFFFFFFFF  }
0xb3: {  	[dreg:$0x0] =	wrdreg $0x60  }
0xb4: {  	[dreg:$0x2] =	wrdreg s17  }
0xb5: {  	[dreg:$0x3] =	wrdreg s15  }
0xb6: {  	[dreg:$0x4] =	wrdreg s24  }
0xb7: {  	[dreg:$0x5] =	wrdreg s16  }
0xb8: {  	[dreg:$0x6] =	wrdreg $0x9  }
0xb9: {  	_ =	task.clear_ibuf [dreg:s9], $0x7FFFF;
	_ =	strace $0x90000046  }
0xba: {  	s29 =	simm.s32 $0x9;
	_ =	strace $0x80000048  }
0xbb: {  	_ =	swait.ge [sflag:s29], $0x1  }
0xbc: {  	[sflag:s29] =	ssyncadd.s32 $0xFFFFFFFF  }
0xbd: {  	_ =	strace $0x90000048  }
0xbe: {  	_ =	sfence  }
0xbf: {  	s30 =	sld [smem:$0x0];
	_ =	sdelay $0x2  }
0xc0: {  	s31 =	sshll.u32 s1, $0xD;
	s1 =	sshrl.u32 s1, $0x2  }
0xc1: {  	s3 =	sand.u32 $0x4000, s31;
	s1 =	sadd.s32 s1, s30  }
0xc2: {  	s0 =	sor.u32 s3, s0;
	s1 =	sshll.u32 s1, $0x11  }
0xc3: {  	s0 =	sor.u32 s1, s0  }
0xc4: {  	s0 =	sadd.s32 $0x8F2B, s0  }
0xc5: {  	[sflag:s0] =	ssyncadd.remote.s32 $0x1  }
0xc6: {  	_ =	sfence.sel $0xFFFF  }
0xc7: {  	[dreg:$0x0] =	wrdreg $0xFFFFFFFF;
	(pc) =	sbr.abs _section_cstart, $3  }
0xc8: {  	[dreg:$0x1] =	wrdreg $0xFFFFFFFF  }
0xc9: {  	_ =	task.clear_ibuf [dreg:s9], $0x2FFFF;
	_ =	strace $0x9FFFFFFF  }
0xca: {  	(tm) =	ssettm $0x7FFFFFFF  }
0xcb: {  	_ =	shalt  }
tec
execute0_lowered:
.L_overlay_start_1:
0x0: {  	(tag) =	ssettag $0x1  }
0x1: {  	s1 =	rddreg [dreg:$0x0]  }
0x2: {  	s0 =	rddreg [dreg:$0x2];
	s4 =	simm.s32 $0x0  }
0x3: {  	s2 =	srdreg.scid;
	s8 =	stileid.u32;
	s12 =	simm.s32 $0x3  }
0x4: {  	s13 =	simm.s32 $0x2710;
	s14 =	simm.s32 $0x28A0;
	s15 =	simm.s32 $0x50  }
0x5: {  	s16 =	simm.s32 $0x2A30;
	s25 =	simm.s32 $0x9330;
	s28 =	simm.s32 $0x5730  }
0x6: {  	s29 =	simm.s32 $0x2990;
	s30 =	simm.s32 $0xA230;
	s31 =	simm.s32 $0x2850  }
0x7: {  	s11 =	simm.s32 $0x1;
	s17 =	simm.s32 $0xC030;
	s18 =	simm.s32 $0xC1C0  }
0x8: {  	s20 =	simm.s32 $0x0;
	[smem:$0x7FF] =	sst s4;
	s2 =	sand.u32 $0x1, s2  }
0x9: {  	s6 =	sadd.s32 $0x3000, s0;
	s7 =	sadd.s32 $0x34000, s0;
	s9 =	sshll.u32 s8, $0x1  }
0xa: {  	s8 =	sadd.s32 $0x208C00, s0;
	_ =	strace $0x80000047;
	s3 =	ssub.s32 $0x2, s2  }
0xb: {  	s2 =	sor.u32 s2, s9;
	s9 =	sadd.s32 $0x212A00, s0;
	s5 =	sshrl.u32 s3, $0x1  }
0xc: {  	s0 =	simm.s32 $0x6630;
	s10 =	smul.u32 $0x2710, s2;
	s3 =	ssub.s32 s3, s5  }
0xd: {  	s2 =	simm.s32 $0xB130;
	s5 =	simm.s32 $0x29E0;
	s26 =	smax.u32 s3, $0x1  }
0xe: {  	s3 =	simm.s32 $0x2;
	[dreg:$0x5] =	wrdreg s26;
	s26 =	simm.s32 $0x2800  }
.LBB2_1:
0xf: {  	[dreg:$0x6] =	wrdreg s20  }
0x10: {  	s19 =	rddreg [dreg:$0x1]  }
0x11: {  	[tilespmem:s4], [sflag:$0x3] =	stream.linear.gather [hbm4b:s19+s4], $0x2710, $0x38;
	[tilespmem:$0xC350] =	vst v63  }
0x12: {  	_ =	swait.ge [sflag:s12], $0x2710  }
0x13: {  	[sflag:s12] =	ssyncset.done $0x0  }
0x14: {  	s19 =	simm.s32 $0x0;
	[sflag:s12] =	ssyncadd.s32 $0xFFFFD8F0  }
.LBB2_2:
0x15: {  	s20 =	smul.u32 $0x190, s19;
	_ =	sdelay $0x1  }
0x16: {  	s21 =	sadd.s32 s10, s20  }
0x17: {  	s20 =	sshrl.u32 s21, $0x3  }
0x18: {  	s23 =	simm.s32 $0x0;
	s22 =	sadd.s32 s6, s20  }
0x19: {  	[tilespmem:s13], [sflag:$0x3] =	stream.linear.gather [hbm4b:s22+s23], $0x190, $0x38;
	[tilespmem:$0xC350] =	vst v63  }
0x1a: {  	_ =	swait.ge [sflag:s12], $0x190  }
0x1b: {  	[sflag:s12] =	ssyncset.done $0x0  }
0x1c: {  	[sflag:s12] =	ssyncadd.s32 $0xFFFFFE70  }
0x1d: {  	s24 =	rddreg [dreg:$0x3]  }
0x1e: {  	s22 =	sadd.s32 s24, s20  }
0x1f: {  	[tilespmem:s14], [sflag:$0x3] =	stream.linear.gather [hbm4b:s22+s23], $0x190, $0x38;
	[tilespmem:$0xC350] =	vst v63  }
0x20: {  	_ =	swait.ge [sflag:s12], $0x190  }
0x21: {  	[sflag:s12] =	ssyncset.done $0x0  }
0x22: {  	[sflag:s12] =	ssyncadd.s32 $0xFFFFFE70  }
0x23: {  	[tilespmem:s16], [sflag:$0x1] =	stream.indirect.gather [hbm4b:s1+s15], $0x30, s13, s15, $0xb8;
	[tilespmem:$0xC350] =	vst v63  }
0x24: {  	s24 =	simm.s32 $0x7530  }
0x25: {  	[tilespmem:s24], [sflag:$0x2] =	stream.indirect.gather [hbm4b:s1+s15], $0x30, s14, s15, $0xb8;
	[tilespmem:$0xC350] =	vst v63  }
0x26: {  	s23 =	simm.s32 $0x2760;
	s24 =	simm.s32 $0x3930  }
0x27: {  	[tilespmem:s24], [sflag:$0x1] =	stream.indirect.gather [hbm4b:s1+s15], $0x30, s23, s15, $0xb8;
	[tilespmem:$0xC350] =	vst v63  }
0x28: {  	s23 =	simm.s32 $0x28F0;
	s24 =	simm.s32 $0x8430  }
0x29: {  	[tilespmem:s24], [sflag:$0x2] =	stream.indirect.gather [hbm4b:s1+s15], $0x30, s23, s15, $0xb8;
	[tilespmem:$0xC350] =	vst v63  }
0x2a: {  	s23 =	simm.s32 $0x27B0;
	s24 =	simm.s32 $0x4830  }
0x2b: {  	[tilespmem:s24], [sflag:$0x1] =	stream.indirect.gather [hbm4b:s1+s15], $0x30, s23, s15, $0xb8;
	[tilespmem:$0xC350] =	vst v63  }
0x2c: {  	s24 =	simm.s32 $0x2940  }
0x2d: {  	[tilespmem:s25], [sflag:$0x2] =	stream.indirect.gather [hbm4b:s1+s15], $0x30, s24, s15, $0xb8;
	[tilespmem:$0xC350] =	vst v63  }
0x2e: {  	_ = 	snop  }
0x2f: {  	[tilespmem:s28], [sflag:$0x1] =	stream.indirect.gather [hbm4b:s1+s15], $0x30, s26, s15, $0xb8;
	[tilespmem:$0xC350] =	vst v63  }
0x30: {  	_ = 	snop  }
0x31: {  	[tilespmem:s30], [sflag:$0x2] =	stream.indirect.gather [hbm4b:s1+s15], $0x30, s29, s15, $0xb8;
	[tilespmem:$0xC350] =	vst v63  }
0x32: {  	_ = 	snop  }
0x33: {  	[tilespmem:s0], [sflag:$0x1] =	stream.indirect.gather [hbm4b:s1+s15], $0x30, s31, s15, $0xb8;
	[tilespmem:$0xC350] =	vst v63  }
0x34: {  	s22 =	simm.s32 $0x0  }
0x35: {  	[tilespmem:s2], [sflag:$0x2] =	stream.indirect.gather [hbm4b:s1+s15], $0x30, s5, s15, $0xb8;
	[tilespmem:$0xC350] =	vst v63  }
0x36: {  	v1 =	vld [tilespmem:s22+$0x2710];
	_ =	sdelay $0x5  }
0x37: {  	v0 =	vld [tilespmem:s22+$0x28A0];
	_ =	sdelay $0x1  }
0x38: {  	v1 =	vld.idx.msk [tilespmem:v1+s4+$0x0], $0xffff;
	_ =	sdelay $0x3  }
0x39: {  	s23 =	simm.s32 $0x10;
	s24 =	simm.s32 $0x80  }
.LBB2_3:
0x3a: {  	p0 =	sne.s32 s24, $0x600;
	v2 =	vld [tilespmem:s23+$0x2710];
	[tilespmem:s22+$0xC030] =	vst v1  }
0x3b: {  	v1 =	vld.idx.msk [tilespmem:v0+s4+$0x0], $0xffff;
	_ =	sdelay $0x5  }
0x3c: {  	v0 =	vld [tilespmem:s23+$0x28A0];
	[tilespmem:s22+$0xC1C0] =	vst v1;
	s22 =	smov.u32 s23  }
0x3d: {  	v1 =	vld.idx.msk [tilespmem:v2+s4+$0x0], $0xffff  }
.Ltmp0:
0x3e: {  	(pc) =	sbr.rel @p0 .LBB2_3-.Ltmp0, $2  }
0x3f: {  	_ =	sdelay $0x2  }
0x40: {  	s23 =	sshra.s32 s24, $0x2;
	s24 =	sadd.s32 $0x40, s24  }
0x41: {  	_ =	sdelay $0x1  }
0x42: {  	v2 =	vld [tilespmem:s23+$0x2710]  }
0x43: {  	[tilespmem:s22+$0xC030] =	vst v1  }
0x44: {  	v0 =	vld.idx.msk [tilespmem:v0+s4+$0x0], $0xffff;
	_ =	sdelay $0x3  }
0x45: {  	v1 =	vld [tilespmem:s23+$0x28A0]  }
0x46: {  	[tilespmem:s22+$0xC1C0] =	vst v0  }
0x47: {  	v0 =	vld.idx.msk [tilespmem:v2+s4+$0x0], $0xffff;
	_ =	sdelay $0x4  }
0x48: {  	[tilespmem:s23+$0xC030] =	vst v0  }
0x49: {  	v0 =	vld.idx.msk [tilespmem:v1+s4+$0x0], $0xffff;
	_ =	sdelay $0x4  }
0x4a: {  	[tilespmem:s23+$0xC1C0] =	vst v0  }
0x4b: {  	_ =	swait.ge [sflag:s11], $0xF00  }
0x4c: {  	[sflag:s11] =	ssyncset.done $0x0  }
0x4d: {  	[sflag:s11] =	ssyncadd.s32 $0xFFFFF100  }
0x4e: {  	_ =	swait.ge [sflag:s3], $0xF00  }
0x4f: {  	[sflag:s3] =	ssyncset.done $0x0  }
0x50: {  	[sflag:s3] =	ssyncadd.s32 $0xFFFFF100  }
0x51: {  	_ =	swait.ge [sflag:s11], $0xF00  }
0x52: {  	[sflag:s11] =	ssyncset.done $0x0  }
0x53: {  	[sflag:s11] =	ssyncadd.s32 $0xFFFFF100  }
0x54: {  	_ =	swait.ge [sflag:s3], $0xF00  }
0x55: {  	[sflag:s3] =	ssyncset.done $0x0  }
0x56: {  	[sflag:s3] =	ssyncadd.s32 $0xFFFFF100  }
0x57: {  	_ =	swait.ge [sflag:s11], $0xF00  }
0x58: {  	[sflag:s11] =	ssyncset.done $0x0  }
0x59: {  	[sflag:s11] =	ssyncadd.s32 $0xFFFFF100  }
0x5a: {  	_ =	swait.ge [sflag:s3], $0xF00  }
0x5b: {  	[sflag:s3] =	ssyncset.done $0x0  }
0x5c: {  	[sflag:s3] =	ssyncadd.s32 $0xFFFFF100  }
0x5d: {  	_ =	swait.ge [sflag:s11], $0xF00  }
0x5e: {  	[sflag:s11] =	ssyncset.done $0x0  }
0x5f: {  	[sflag:s11] =	ssyncadd.s32 $0xFFFFF100  }
0x60: {  	_ =	swait.ge [sflag:s3], $0xF00  }
0x61: {  	[sflag:s3] =	ssyncset.done $0x0  }
0x62: {  	[sflag:s3] =	ssyncadd.s32 $0xFFFFF100  }
0x63: {  	_ =	swait.ge [sflag:s11], $0xF00  }
0x64: {  	[sflag:s11] =	ssyncset.done $0x0  }
0x65: {  	[sflag:s11] =	ssyncadd.s32 $0xFFFFF100  }
0x66: {  	_ =	swait.ge [sflag:s3], $0xF00  }
0x67: {  	[sflag:s3] =	ssyncset.done $0x0  }
0x68: {  	s22 =	simm.s32 $0x0;
	[sflag:s3] =	ssyncadd.s32 $0xFFFFF100  }
0x69: {  	v1 =	vld [tilespmem:s22+$0x7530]  }
0x6a: {  	v2 =	vld [tilespmem:s22+$0x7540]  }
0x6b: {  	v0 =	vld [tilespmem:s22+$0x7550]  }
0x6c: {  	v3 =	vld [tilespmem:s22+$0x2A30]  }
0x6d: {  	s23 =	simm.s32 $0xC0;
	v4 =	vld [tilespmem:s22+$0x2A40]  }
.LBB2_5:
0x6e: {  	p0 =	sne.s32 s23, $0x12B40;
	v5 =	vld [tilespmem:s22+$0x2A50];
	_ =	sdelay $0x1  }
0x6f: {  	s24 =	sshra.s32 s23, $0x2  }
.Ltmp1:
0x70: {  	v3 =	vsub.f32 v3, v1;
	v1 =	vld [tilespmem:s24+$0x7530];
	(pc) =	sbr.rel @p0 .LBB2_5-.Ltmp1, $4  }
0x71: {  	v4 =	vsub.f32 v4, v2;
	v2 =	vld [tilespmem:s24+$0x7540]  }
0x72: {  	[tilespmem:s22+$0x2A30] =	vst v3;
	v5 =	vsub.f32 v5, v0;
	v0 =	vld [tilespmem:s24+$0x7550]  }
0x73: {  	v3 =	vld [tilespmem:s24+$0x2A30];
	[tilespmem:s22+$0x2A40] =	vst v4  }
0x74: {  	s23 =	sadd.s32 $0xC0, s23;
	v4 =	vld [tilespmem:s24+$0x2A40];
	[tilespmem:s22+$0x2A50] =	vst v5;
	s22 =	smov.u32 s24  }
0x75: {  	v5 =	vld [tilespmem:s22+$0x2A50];
	_ =	sdelay $0x2  }
0x76: {  	v1 =	vsub.f32 v3, v1  }
0x77: {  	v2 =	vsub.f32 v4, v2  }
0x78: {  	s21 =	smul.u32 $0x6, s21;
	[tilespmem:s22+$0x2A30] =	vst v1;
	v0 =	vsub.f32 v5, v0  }
0x79: {  	[tilespmem:s22+$0x2A40] =	vst v2  }
0x7a: {  	s21 =	sadd.s32 s7, s21;
	[tilespmem:s22+$0x2A50] =	vst v0  }
0x7b: {  	[hbm4b:s21+s4] =	stream.linear.scatter [tilespmem:s16], [sflag:$0x3], $0x4B00, $0x38;
	[tilespmem:$0xC350] =	vst v63  }
0x7c: {  	_ =	swait.ge [sflag:s12], $0x4B00  }
0x7d: {  	[sflag:s12] =	ssyncset.done $0x0  }
0x7e: {  	s23 =	sadd.s32 s8, s20;
	[sflag:s12] =	ssyncadd.s32 $0xFFFFB500  }
0x7f: {  	[hbm4b:s23+s4] =	stream.linear.scatter [tilespmem:s17], [sflag:$0x3], $0x190, $0x38;
	[tilespmem:$0xC350] =	vst v63  }
0x80: {  	s19 =	sadd.s32 $0x1, s19;
	_ =	swait.ge [sflag:s12], $0x190  }
0x81: {  	p0 =	sne.s32 s19, $0x19;
	[sflag:s12] =	ssyncset.done $0x0  }
.Ltmp2:
0x82: {  	s24 =	sadd.s32 s9, s20;
	[sflag:s12] =	ssyncadd.s32 $0xFFFFFE70;
	(pc) =	sbr.rel @p0 .LBB2_2-.Ltmp2, $4  }
0x83: {  	[hbm4b:s24+s4] =	stream.linear.scatter [tilespmem:s18], [sflag:$0x3], $0x190, $0x38;
	[tilespmem:$0xC350] =	vst v63  }
0x84: {  	_ =	swait.ge [sflag:s12], $0x190  }
0x85: {  	[sflag:s12] =	ssyncset.done $0x0  }
0x86: {  	[sflag:s12] =	ssyncadd.s32 $0xFFFFFE70  }
0x87: {  	s20 =	rddreg [dreg:$0x6]  }
0x88: {  	s19 =	rddreg [dreg:$0x5];
	s20 =	sadd.s32 $0x1, s20  }
0x89: {  	p0 =	sne.s32 s20, s19  }
.Ltmp3:
0x8a: {  	_ = 	snop;
	(pc) =	sbr.rel @p0 .LBB2_1-.Ltmp3, $1  }
0x8b: {  	_ =	sdelay $0x3  }
0x8c: {  	_ =	sfence.sel $0x180000  }
0x8d: {  	[bflag:$0x0] =	sbarrier.arrive $0xFFFF  }
0x8e: {  	_ =	strace $0x90000047  }
0x8f: {  	s0 =	stileid.u32;
	[bflag:$0x2] =	sbarrier.arrive $0xFFFF  }
0x90: {  	p0 =	sne.s32 s0, $0x0;
	s0 =	rddreg [dreg:$0x4]  }
0x91: {  	s0 =	sadd.s32 @!p0 $0x100000, s0  }
0x92: {  	[sflag:s0] =	ssyncadd.tile.s32 @!p0 $0x1;
	_ =	shalt  }
.Lfunc_end2:
_tile_overlayer_lowered:
.L_overlay_start_2:
0x93: {  	(tag) =	ssettag $0x2  }
0x94: {  	s0 =	rddreg [dreg:$0x0];
	s2 =	stileid.u32  }
0x95: {  	s1 =	rddreg [dreg:$0x1];
	p0 =	sne.s32 s2, $0x0  }
0x96: {  	s3 =	rddreg [dreg:$0x2];
	[bflag:$0x3] =	sbarrier.arrive $0xFFFF;
	s2 =	simm.s32 @!p0 $0x1C03  }
0x97: {  	[timem:s3], [sflag:s2] =	dma.local @!p0 [hbm:s0], s1  }
0x98: {  	s0 =	simm.s32 @!p0 $0x3  }
0x99: {  	_ =	swait.ge @!p0 [sflag:s0], s1  }
0x9a: {  	s1 =	ssub.s32 @!p0 $0x0, s1;
	[sflag:s0] =	ssyncset.done @!p0 $0x0  }
0x9b: {  	[sflag:s0] =	ssyncadd.s32 @!p0 s1  }
0x9c: {  	[bflag:$0x3] =	sbarrier.arrive $0xFFFF  }
0x9d: {  	_ =	shalt  }

// kernel: kernel.9.cloned.1.call-start
scs
__scs_entry_jumppad:
0x0: {  	(pc) =	sbr.rel $0x88, $3  }
0x1: {  	(tag) =	ssettag $0x0;
	lr =	simm.s32 $0x1  }
0x2: {  	[smem:$0x3F91] =	sst lr;
	_ =	strace $0xD0000000  }
0x3: {  	_ = 	snop  }
0x4: {  	_ = 	snop  }
0x5: {  	_ = 	snop  }
0x6: {  	_ = 	snop  }
0x7: {  	_ = 	snop  }
__scs_overlays_trampoline_lowered:
0x8: {  	[smem:$0x3FA0] =	sst s0  }
0x9: {  	[smem:$0x3FA1] =	sst s1  }
0xa: {  	[smem:$0x3FA2] =	sst s2  }
0xb: {  	[smem:$0x3FA3] =	sst s3  }
0xc: {  	[smem:$0x3FA4] =	sst s4  }
0xd: {  	[smem:$0x3FA5] =	sst s5  }
0xe: {  	[smem:$0x3FA6] =	sst s6  }
0xf: {  	[smem:$0x3FA7] =	sst s7  }
0x10: {  	[smem:$0x3FA8] =	sst s8  }
0x11: {  	[smem:$0x3FA9] =	sst s9;
	s0 =	simm.s32 @!p0 $0x0  }
0x12: {  	s1 =	sld [smem:$0x3F8F];
	s0 =	simm.s32 @p0 $0x1  }
0x13: {  	[smem:$0x3FAA] =	sst s0;
	s0 =	simm.s32 @!p1 $0x0  }
0x14: {  	s2 =	sld [smem:$0x3F8E];
	s0 =	simm.s32 @p1 $0x1  }
0x15: {  	[smem:$0x3FAB] =	sst s0;
	s0 =	simm.s32 @!p2 $0x0  }
0x16: {  	s3 =	sld [smem:$0x3FDB];
	s0 =	simm.s32 @p2 $0x1  }
0x17: {  	s4 =	simm.s32 $0x1BF5;
	[smem:$0x3FAD] =	sst s0  }
0x18: {  	s0 =	sld [smem:$0x3F90];
	_ =	swait.ge [sflag:s4], $0x0  }
0x19: {  	s7 =	sld [smem:$0x3F91]  }
0x1a: {  	s8 =	sadd.s32 $0xFFFFE003, lr  }
0x1b: {  	s9 =	sadd.s32 $0xFFFFFEF7, lr;
	s5 =	simm.s32 $0xFFFFFFFF;
	p2 =	slt.u32 s8, $0xFFFFF086  }
0x1c: {  	p1 =	slt.u32 s9, $0xF7A;
	s5 =	simm.s32 @!p2 $0x0  }
0x1d: {  	s5 =	simm.s32 @p1 $0x1;
	p0 =	seq.s32 s7, s2  }
0x1e: {  	s7 =	smul.u32 @!p0 $0xF7A, s2;
	p2 =	seq.s32 @!p0 s5, $0x0  }
0x1f: {  	s9 =	smul.u32 $0xF7A, s1;
	s8 =	simm.s32 @!p0 $0x1BF5;
	p2 =	por !p2, p0  }
0x20: {  	[sflag:s8] =	ssyncset.s32 @!p0 $0xFFFFF086;
	s6 =	sadd.s32 @!p0 s3, s7;
	s7 =	simm.s32 @!p0 $0x108  }
0x21: {  	s3 =	sadd.s32 s3, s9;
	s6 =	sadd.s32 @!p0 $0x88, s6;
	s7 =	simm.s32 @p2 $0x1082  }
0x22: {  	[simem:s7], [sflag:s8] =	dma.local @!p0 [hbm:s6], $0xF7A  }
0x23: {  	s9 =	sor.u32 $0xD0000000, s2;
	s6 =	simm.s32 $0x108;
	_ =	swait.ge @!p0 [sflag:s8], $0x0  }
0x24: {  	s3 =	sadd.s32 $0x88, s3;
	s6 =	simm.s32 @!p1 $0x1082;
	[sflag:s4] =	ssyncset.s32 $0xFFFFF086  }
0x25: {  	[simem:s6], [sflag:s4] =	dma.local [hbm:s3], $0xF7A  }
0x26: {  	[smem:$0x3F91] =	sst s1;
	(tag) =	ssettag s2;
	_ =	strace s9  }
0x27: {  	s1 =	sld [smem:$0x3FA1]  }
0x28: {  	s2 =	sld [smem:$0x3FA2]  }
0x29: {  	s4 =	sld [smem:$0x3FA4]  }
0x2a: {  	p0 =	seq.s32 s5, $0x0;
	s5 =	sld [smem:$0x3FA5]  }
0x2b: {  	s6 =	sld [smem:$0x3FA6]  }
0x2c: {  	s7 =	sld [smem:$0x3FA7]  }
0x2d: {  	s3 =	simm.s32 $0x108;
	s8 =	sld [smem:$0x3FA8]  }
0x2e: {  	s3 =	simm.s32 @!p0 $0x1082;
	s9 =	sld [smem:$0x3FA9]  }
0x2f: {  	lr =	sadd.s32 s0, s3;
	s0 =	sld [smem:$0x3FA0]  }
0x30: {  	s3 =	sld [smem:$0x3FA3]  }
0x31: {  	[smem:$0x3FAC] =	sst s10  }
0x32: {  	s10 =	sld [smem:$0x3FAA];
	_ =	sdelay $0x3  }
0x33: {  	p0 =	seq.s32 s10, $0x1;
	s10 =	sld [smem:$0x3FAC];
	_ =	sdelay $0x3  }
0x34: {  	[smem:$0x3FAC] =	sst s10  }
0x35: {  	s10 =	sld [smem:$0x3FAB];
	_ =	sdelay $0x3  }
0x36: {  	p1 =	seq.s32 s10, $0x1;
	s10 =	sld [smem:$0x3FAC];
	_ =	sdelay $0x3  }
0x37: {  	[smem:$0x3FAC] =	sst s10  }
0x38: {  	s10 =	sld [smem:$0x3FAD]  }
0x39: {  	_ = 	snop;
	(pc) =	sbr.ind lr, $3  }
0x3a: {  	_ = 	snop  }
0x3b: {  	_ = 	snop  }
0x3c: {  	p2 =	seq.s32 s10, $0x1;
	s10 =	sld [smem:$0x3FAC]  }
0x3d: {  	_ =	shalt  }
0x3e: {  	_ =	shalt  }
0x3f: {  	_ =	shalt  }
0x40: {  	_ =	shalt  }
0x41: {  	_ =	shalt  }
0x42: {  	_ =	shalt  }
0x43: {  	_ =	shalt  }
0x44: {  	_ =	shalt  }
0x45: {  	_ =	shalt  }
0x46: {  	_ =	shalt  }
0x47: {  	_ =	shalt  }
0x48: {  	_ =	shalt  }
0x49: {  	_ =	shalt  }
0x4a: {  	_ =	shalt  }
0x4b: {  	_ =	shalt  }
0x4c: {  	_ =	shalt  }
0x4d: {  	_ =	shalt  }
0x4e: {  	_ =	shalt  }
0x4f: {  	_ =	shalt  }
0x50: {  	_ =	shalt  }
0x51: {  	_ =	shalt  }
0x52: {  	_ =	shalt  }
0x53: {  	_ =	shalt  }
0x54: {  	_ =	shalt  }
0x55: {  	_ =	shalt  }
0x56: {  	_ =	shalt  }
0x57: {  	_ =	shalt  }
0x58: {  	_ =	shalt  }
0x59: {  	_ =	shalt  }
0x5a: {  	_ =	shalt  }
0x5b: {  	_ =	shalt  }
0x5c: {  	_ =	shalt  }
0x5d: {  	_ =	shalt  }
0x5e: {  	_ =	shalt  }
0x5f: {  	_ =	shalt  }
0x60: {  	_ =	shalt  }
0x61: {  	_ =	shalt  }
0x62: {  	_ =	shalt  }
0x63: {  	_ =	shalt  }
0x64: {  	_ =	shalt  }
0x65: {  	_ =	shalt  }
0x66: {  	_ =	shalt  }
0x67: {  	_ =	shalt  }
0x68: {  	_ =	shalt  }
0x69: {  	_ =	shalt  }
0x6a: {  	_ =	shalt  }
0x6b: {  	_ =	shalt  }
0x6c: {  	_ =	shalt  }
0x6d: {  	_ =	shalt  }
0x6e: {  	_ =	shalt  }
0x6f: {  	_ =	shalt  }
0x70: {  	_ =	shalt  }
0x71: {  	_ =	shalt  }
0x72: {  	_ =	shalt  }
0x73: {  	_ =	shalt  }
0x74: {  	_ =	shalt  }
0x75: {  	_ =	shalt  }
0x76: {  	_ =	shalt  }
0x77: {  	_ =	shalt  }
0x78: {  	_ =	shalt  }
0x79: {  	_ =	shalt  }
0x7a: {  	_ =	shalt  }
0x7b: {  	_ =	shalt  }
0x7c: {  	_ =	shalt  }
0x7d: {  	_ =	shalt  }
0x7e: {  	_ =	shalt  }
0x7f: {  	_ =	shalt  }
0x80: {  	_ =	shalt  }
0x81: {  	_ =	shalt  }
0x82: {  	_ =	shalt  }
0x83: {  	_ =	shalt  }
0x84: {  	_ =	shalt  }
0x85: {  	_ =	shalt  }
0x86: {  	_ =	shalt  }
0x87: {  	_ =	shalt  }
.Lfunc_end0:
.L_simem_size_0:
called_computation.1_lowered:
.L_overlay_start_0:
0x88: {  	s2 =	sld [smem:$0x3FD9]  }
0x89: {  	s3 =	sld [smem:$0x3FFE];
	_ =	sdelay $0x1  }
0x8a: {  	s1 =	srdreg.scid  }
0x8b: {  	s0 =	sand.u32 $0x1, s1  }
0x8c: {  	s14 =	sshll.u32 s0, $0xA;
	s2 =	sadd.s32 s3, s2  }
0x8d: {  	s2 =	sadd.s32 s2, s14  }
0x8e: {  	[smem:$0x3FB8] =	sst s2  }
0x8f: {  	_ = 	snop  }
0x90: {  	s2 =	sld [smem:$0x3FD0];
	_ =	sdelay $0x2  }
0x91: {  	s15 =	simm.s32 $0xA;
	s4 =	simm.s32 $0x10  }
0x92: {  	[smem:s4], [sflag:s15] =	dma.local [hbm:s2], $0x1  }
0x93: {  	_ =	swait.eq [sflag:s15], $0x1  }
0x94: {  	[sflag:s15] =	ssyncset.done $0x0  }
0x95: {  	[sflag:s15] =	ssyncadd.s32 $0xFFFFFFFF  }
0x96: {  	s16 =	sld [smem:$0x10];
	(tm) =	ssettm $0x1  }
0x97: {  	s17 =	sld [smem:$0x3FFB];
	_ =	sdelay $0x3  }
0x98: {  	_ =	strace s17  }
0x99: {  	s3 =	sld [smem:$0x3FFC];
	_ =	sdelay $0x3  }
0x9a: {  	_ =	strace s3  }
0x9b: {  	s3 =	sld [smem:$0x3FFD];
	_ =	sdelay $0x3  }
0x9c: {  	_ =	strace s3  }
0x9d: {  	_ =	strace $0x8FFFFFFF  }
0x9e: {  	s18 =	sld [smem:$0x3FDB];
	_ =	sdelay $0x1  }
0x9f: {  	s19 =	simm.s32 $_scs_section_size  }
0xa0: {  	s5 =	simm.s32 $_size__tile_overlayer_lowered;
	s6 =	simm.s32 $_tile_overlayer_lowered  }
0xa1: {  	s22 =	simm.s32 $0x1BFF;
	s21 =	sshll.u32 s6, $0x1;
	s3 =	sadd.s32 s19, s18  }
0xa2: {  	s7 =	simm.s32 $0x0;
	s20 =	sshll.u32 s5, $0x1;
	s5 =	sadd.s32 s21, s3  }
0xa3: {  	[timem:s7], [sflag:s22] =	dma.local [hbm:s5], s20  }
0xa4: {  	_ =	swait.ge [sflag:s22], s20  }
0xa5: {  	s4 =	ssub.s32 $0x0, s20;
	[sflag:s22] =	ssyncset.done $0x0  }
0xa6: {  	[sflag:s22] =	ssyncadd.s32 s4;
	_ =	sdelay $0x1  }
0xa7: {  	s23 =	simm.s32 $0x1B8B  }
0xa8: {  	_ =	swait.ge [sflag:s23], $0x1  }
0xa9: {  	[sflag:s23] =	ssyncset.done $0x0  }
0xaa: {  	s25 =	simm.s32 $0x1B8E;
	s24 =	sld [smem:$0x3FFE];
	[sflag:s23] =	ssyncadd.s32 $0xFFFFFFFF  }
0xab: {  	s26 =	simm.s32 $execute0_lowered;
	[smem:$0x3FD2] =	sst s25  }
0xac: {  	s5 =	sshll.u32 s26, $0x1;
	_ =	strace $0x80000049;
	[dreg:$0x1] =	wrdreg $0xFFFFFFFF  }
0xad: {  	s28 =	simm.s32 $_size_execute0_lowered;
	s3 =	sadd.s32 s3, s5;
	[dreg:$0x0] =	wrdreg $0x0  }
0xae: {  	s5 =	sshll.u32 s28, $0x1;
	[dreg:$0x2] =	wrdreg s3  }
0xaf: {  	[dreg:$0x3] =	wrdreg s5  }
0xb0: {  	[dreg:$0x4] =	wrdreg $0xC0  }
0xb1: {  	_ =	task [dreg:s7], $0x5FFFF  }
0xb2: {  	[dreg:$0x1] =	wrdreg $0xFFFFFFFF  }
0xb3: {  	[dreg:$0x0] =	wrdreg $0x60  }
0xb4: {  	[dreg:$0x2] =	wrdreg s24  }
0xb5: {  	[dreg:$0x3] =	wrdreg s16  }
0xb6: {  	[dreg:$0x4] =	wrdreg $0xC7900  }
0xb7: {  	[dreg:$0x5] =	wrdreg $0x9  }
0xb8: {  	_ =	task.clear_ibuf [dreg:s7], $0x6FFFF;
	_ =	strace $0x90000049  }
0xb9: {  	s29 =	simm.s32 $0x9;
	_ =	strace $0x8000004B  }
0xba: {  	_ =	swait.ge [sflag:s29], $0x1  }
0xbb: {  	[sflag:s29] =	ssyncadd.s32 $0xFFFFFFFF  }
0xbc: {  	_ =	strace $0x9000004B  }
0xbd: {  	_ =	sfence  }
0xbe: {  	s30 =	sld [smem:$0x0];
	_ =	sdelay $0x2  }
0xbf: {  	s31 =	sshll.u32 s1, $0xD;
	s1 =	sshrl.u32 s1, $0x2  }
0xc0: {  	s3 =	sand.u32 $0x4000, s31;
	s1 =	sadd.s32 s1, s30  }
0xc1: {  	s0 =	sor.u32 s3, s0;
	s1 =	sshll.u32 s1, $0x11  }
0xc2: {  	s0 =	sor.u32 s1, s0  }
0xc3: {  	s0 =	sadd.s32 $0x8F2B, s0  }
0xc4: {  	[sflag:s0] =	ssyncadd.remote.s32 $0x1  }
0xc5: {  	_ =	sfence.sel $0xFFFF  }
0xc6: {  	[dreg:$0x0] =	wrdreg $0xFFFFFFFF;
	(pc) =	sbr.abs _section_cstart, $3  }
0xc7: {  	[dreg:$0x1] =	wrdreg $0xFFFFFFFF  }
0xc8: {  	_ =	task.clear_ibuf [dreg:s7], $0x2FFFF;
	_ =	strace $0x9FFFFFFF  }
0xc9: {  	(tm) =	ssettm $0x7FFFFFFF  }
tec
execute0_lowered:
.L_overlay_start_1:
0x0: {  	(tag) =	ssettag $0x1  }
0x1: {  	s4 =	rddreg [dreg:$0x0]  }
0x2: {  	s11 =	rddreg [dreg:$0x1]  }
0x3: {  	s0 =	srdreg.scid;
	s2 =	rddreg [dreg:$0x2];
	s3 =	simm.s32 $0x0  }
0x4: {  	s15 =	simm.s32 $0x190;
	s16 =	simm.s32 $0x50;
	s5 =	sand.u32 $0x1, s0  }
0x5: {  	s17 =	simm.s32 $0x1F90;
	s0 =	stileid.u32;
	s6 =	smul.u32 $0x1D4C000, s5  }
0x6: {  	s18 =	simm.s32 $0xA0;
	s19 =	simm.s32 $0x3D90;
	s7 =	smul.u32 $0x1D4C00, s0  }
0x7: {  	s20 =	simm.s32 $0xF0;
	s21 =	simm.s32 $0x5B90;
	s8 =	smul.u32 $0xF000, s0  }
0x8: {  	s22 =	simm.s32 $0x140;
	s23 =	simm.s32 $0x7990;
	s9 =	smul.u32 $0xF0000, s5  }
0x9: {  	s24 =	simm.s32 $0x0;
	[smem:$0x7FF] =	sst s3;
	s26 =	smul.u32 $0x3C000, s0  }
0xa: {  	_ =	strace $0x8000004A;
	s5 =	ssub.s32 $0x2, s5;
	s14 =	smul.u32 $0x9C4, s0  }
0xb: {  	s29 =	sshrl.u32 s5, $0x1;
	s6 =	sadd.s32 s7, s6;
	s25 =	sadd.s32 s8, s9  }
0xc: {  	s30 =	sshrl.u32 s26, $0x2;
	s13 =	ssub.s32 s5, s29;
	s11 =	sadd.s32 s14, s11  }
0xd: {  	s14 =	simm.s32 $0x1;
	s6 =	sshrl.u32 s6, $0x3;
	s28 =	sshrl.u32 s25, $0x3  }
0xe: {  	s31 =	sadd.s32 s30, s2;
	s12 =	sadd.s32 s6, s4;
	s10 =	sadd.s32 s28, s4  }
0xf: {  	s4 =	sadd.s32 s8, s2;
	s5 =	sadd.s32 $0x3000, s31;
	s6 =	sadd.s32 $0x6000, s31  }
0x10: {  	s7 =	sadd.s32 $0x9000, s31;
	s8 =	sadd.s32 $0xC000, s31;
	s9 =	sadd.s32 $0x34000, s10  }
0x11: {  	v0 =	vimm.f32 $0.0e+00;
	s10 =	smax.u32 s13, $0x1;
	s12 =	sadd.s32 $0x10C2800, s12;
	s13 =	simm.s32 $0x9790  }
.LBB2_1:
0x12: {  	s25 =	smul.u32 $0xAAAB, s3;
	_ =	sdelay $0x1  }
0x13: {  	s26 =	sshrl.u32 s25, $0x12  }
0x14: {  	s28 =	simm.s32 $0x0;
	s25 =	simm.s32 $0x1;
	s29 =	smul.u32 $0x6, s26  }
.LBB2_2:
0x15: {  	s30 =	smul.u32 $0xAAAB, s25  }
0x16: {  	s31 =	smov.u32 s25;
	s26 =	smul.u32 $0x180, s26;
	p0 =	sne.s32 s25, $0x2FF  }
.Ltmp0:
0x17: {  	s28 =	ssub.s32 s28, s29;
	(pc) =	sbr.rel @p0 .LBB2_2-.Ltmp0, $4  }
0x18: {  	s25 =	sadd.s32 $0x1, s25;
	s28 =	sand.u32 $0xFFFF, s28  }
0x19: {  	s29 =	sshrl.u32 s26, $0x2;
	s1 =	sshll.u32 s28, $0x4;
	s28 =	smov.u32 s31  }
0x1a: {  	s26 =	sshrl.u32 s30, $0x12;
	s1 =	sadd.s32 s1, s29  }
0x1b: {  	s29 =	smul.u32 $0x6, s26;
	[tilespmem:s1+$0x9790] =	vst v0  }
0x1c: {  	_ = 	snop  }
0x1d: {  	s25 =	smul.u32 $0x180, s26;
	s1 =	ssub.s32 s28, s29  }
0x1e: {  	s1 =	sand.u32 $0xFFFF, s1  }
0x1f: {  	s25 =	sshrl.u32 s25, $0x2;
	s1 =	sshll.u32 s1, $0x4  }
0x20: {  	s1 =	sadd.s32 s1, s25  }
0x21: {  	[tilespmem:s1+$0x9790] =	vst v0  }
0x22: {  	[spmem:s4] =	stream.linear.scatter [tilespmem:s13], [sflag:$0x1], $0x3000, $0x38;
	[tilespmem:$0x1B790] =	vst v63  }
0x23: {  	_ =	swait.ge [sflag:s14], $0x3000  }
0x24: {  	[sflag:s14] =	ssyncset.done $0x0  }
0x25: {  	[sflag:s14] =	ssyncadd.s32 $0xFFFFD000  }
0x26: {  	[spmem:s5] =	stream.linear.scatter [tilespmem:s13], [sflag:$0x1], $0x3000, $0x38;
	[tilespmem:$0x1B790] =	vst v63  }
0x27: {  	_ =	swait.ge [sflag:s14], $0x3000  }
0x28: {  	[sflag:s14] =	ssyncset.done $0x0  }
0x29: {  	[sflag:s14] =	ssyncadd.s32 $0xFFFFD000  }
0x2a: {  	[spmem:s6] =	stream.linear.scatter [tilespmem:s13], [sflag:$0x1], $0x3000, $0x38;
	[tilespmem:$0x1B790] =	vst v63  }
0x2b: {  	_ =	swait.ge [sflag:s14], $0x3000  }
0x2c: {  	[sflag:s14] =	ssyncset.done $0x0  }
0x2d: {  	[sflag:s14] =	ssyncadd.s32 $0xFFFFD000  }
0x2e: {  	[spmem:s7] =	stream.linear.scatter [tilespmem:s13], [sflag:$0x1], $0x3000, $0x38;
	[tilespmem:$0x1B790] =	vst v63  }
0x2f: {  	_ =	swait.ge [sflag:s14], $0x3000  }
0x30: {  	[sflag:s14] =	ssyncset.done $0x0  }
0x31: {  	[sflag:s14] =	ssyncadd.s32 $0xFFFFD000  }
0x32: {  	[spmem:s8] =	stream.linear.scatter [tilespmem:s13], [sflag:$0x1], $0x3000, $0x38;
	[tilespmem:$0x1B790] =	vst v63  }
0x33: {  	_ =	swait.ge [sflag:s14], $0x3000  }
0x34: {  	[sflag:s14] =	ssyncset.done $0x0  }
0x35: {  	[sflag:s14] =	ssyncadd.s32 $0xFFFFD000  }
0x36: {  	s31 =	sadd.s32 $0x0, s11;
	[bflag:$0x0] =	sbarrier.arrive $0xFFFF  }
0x37: {  	[tilespmem:s3], [sflag:$0x1] =	stream.linear.gather [hbm4b:s31+s3], $0x190, $0x38;
	[tilespmem:$0x1B790] =	vst v63  }
0x38: {  	_ =	swait.ge [sflag:s14], $0x190  }
0x39: {  	[sflag:s14] =	ssyncset.done $0x0  }
0x3a: {  	[sflag:s14] =	ssyncadd.s32 $0xFFFFFE70  }
0x3b: {  	[tilespmem:s15], [sflag:$0x1] =	stream.linear.gather [hbm4b:s12+s3], $0x9600, $0x38;
	[tilespmem:$0x1B790] =	vst v63  }
0x3c: {  	_ =	swait.ge [sflag:s14], $0x9600  }
0x3d: {  	[sflag:s14] =	ssyncset.done $0x0  }
0x3e: {  	[sflag:s14] =	ssyncadd.s32 $0xFFFF6A00  }
0x3f: {  	[spmem:s2] =	stream.indirect.scatter.add.f32 [tilespmem:s15], [sflag:$0x1], $0x60, s3, s16, $0xb8;
	[tilespmem:$0x1B790] =	vst v63  }
0x40: {  	_ =	swait.ge [sflag:s14], $0x1E00  }
0x41: {  	[sflag:s14] =	ssyncset.done $0x0  }
0x42: {  	[sflag:s14] =	ssyncadd.s32 $0xFFFFE200  }
0x43: {  	[spmem:s2] =	stream.indirect.scatter.add.f32 [tilespmem:s17], [sflag:$0x1], $0x60, s16, s16, $0xb8;
	[tilespmem:$0x1B790] =	vst v63  }
0x44: {  	_ =	swait.ge [sflag:s14], $0x1E00  }
0x45: {  	[sflag:s14] =	ssyncset.done $0x0  }
0x46: {  	[sflag:s14] =	ssyncadd.s32 $0xFFFFE200  }
0x47: {  	[spmem:s2] =	stream.indirect.scatter.add.f32 [tilespmem:s19], [sflag:$0x1], $0x60, s18, s16, $0xb8;
	[tilespmem:$0x1B790] =	vst v63  }
0x48: {  	_ =	swait.ge [sflag:s14], $0x1E00  }
0x49: {  	[sflag:s14] =	ssyncset.done $0x0  }
0x4a: {  	[sflag:s14] =	ssyncadd.s32 $0xFFFFE200  }
0x4b: {  	[spmem:s2] =	stream.indirect.scatter.add.f32 [tilespmem:s21], [sflag:$0x1], $0x60, s20, s16, $0xb8;
	[tilespmem:$0x1B790] =	vst v63  }
0x4c: {  	_ =	swait.ge [sflag:s14], $0x1E00  }
0x4d: {  	[sflag:s14] =	ssyncset.done $0x0  }
0x4e: {  	[sflag:s14] =	ssyncadd.s32 $0xFFFFE200  }
0x4f: {  	[spmem:s2] =	stream.indirect.scatter.add.f32 [tilespmem:s23], [sflag:$0x1], $0x60, s22, s16, $0xb8;
	[tilespmem:$0x1B790] =	vst v63  }
0x50: {  	s26 =	simm.s32 $0x32;
	_ =	swait.ge [sflag:s14], $0x1E00  }
0x51: {  	s28 =	simm.s32 $0x64;
	s25 =	sadd.s32 $0x12C0, s12;
	[sflag:s14] =	ssyncset.done $0x0  }
.LBB2_4:
0x52: {  	s1 =	sadd.s32 s26, s11  }
0x53: {  	[sflag:s14] =	ssyncadd.s32 $0xFFFFE200;
	s26 =	smov.u32 s28;
	s29 =	sadd.s32 $0x32, s28  }
0x54: {  	[tilespmem:s3], [sflag:$0x1] =	stream.linear.gather [hbm4b:s1+s3], $0x190, $0x38;
	[tilespmem:$0x1B790] =	vst v63  }
0x55: {  	p0 =	sne.s32 s28, $0x992;
	_ =	swait.ge [sflag:s14], $0x190  }
0x56: {  	[sflag:s14] =	ssyncset.done $0x0  }
0x57: {  	[sflag:s14] =	ssyncadd.s32 $0xFFFFFE70  }
0x58: {  	[tilespmem:s15], [sflag:$0x1] =	stream.linear.gather [hbm4b:s25+s3], $0x9600, $0x38;
	[tilespmem:$0x1B790] =	vst v63  }
0x59: {  	_ =	swait.ge [sflag:s14], $0x9600  }
0x5a: {  	[sflag:s14] =	ssyncset.done $0x0  }
0x5b: {  	[sflag:s14] =	ssyncadd.s32 $0xFFFF6A00  }
0x5c: {  	[spmem:s2] =	stream.indirect.scatter.add.f32 [tilespmem:s15], [sflag:$0x1], $0x60, s3, s16, $0xb8;
	[tilespmem:$0x1B790] =	vst v63  }
0x5d: {  	_ =	swait.ge [sflag:s14], $0x1E00  }
0x5e: {  	[sflag:s14] =	ssyncset.done $0x0  }
0x5f: {  	[sflag:s14] =	ssyncadd.s32 $0xFFFFE200  }
0x60: {  	[spmem:s2] =	stream.indirect.scatter.add.f32 [tilespmem:s17], [sflag:$0x1], $0x60, s16, s16, $0xb8;
	[tilespmem:$0x1B790] =	vst v63  }
0x61: {  	_ =	swait.ge [sflag:s14], $0x1E00  }
0x62: {  	[sflag:s14] =	ssyncset.done $0x0  }
0x63: {  	[sflag:s14] =	ssyncadd.s32 $0xFFFFE200  }
0x64: {  	[spmem:s2] =	stream.indirect.scatter.add.f32 [tilespmem:s19], [sflag:$0x1], $0x60, s18, s16, $0xb8;
	[tilespmem:$0x1B790] =	vst v63  }
0x65: {  	_ =	swait.ge [sflag:s14], $0x1E00  }
0x66: {  	[sflag:s14] =	ssyncset.done $0x0  }
0x67: {  	[sflag:s14] =	ssyncadd.s32 $0xFFFFE200  }
0x68: {  	[spmem:s2] =	stream.indirect.scatter.add.f32 [tilespmem:s21], [sflag:$0x1], $0x60, s20, s16, $0xb8;
	[tilespmem:$0x1B790] =	vst v63  }
0x69: {  	_ =	swait.ge [sflag:s14], $0x1E00  }
.Ltmp1:
0x6a: {  	[sflag:s14] =	ssyncset.done $0x0;
	(pc) =	sbr.rel @p0 .LBB2_4-.Ltmp1, $4  }
0x6b: {  	[sflag:s14] =	ssyncadd.s32 $0xFFFFE200  }
0x6c: {  	[spmem:s2] =	stream.indirect.scatter.add.f32 [tilespmem:s23], [sflag:$0x1], $0x60, s22, s16, $0xb8;
	[tilespmem:$0x1B790] =	vst v63  }
0x6d: {  	_ =	swait.ge [sflag:s14], $0x1E00  }
0x6e: {  	s28 =	smov.u32 s29;
	s25 =	sadd.s32 $0x12C0, s25;
	[sflag:s14] =	ssyncset.done $0x0  }
0x6f: {  	s1 =	sadd.s32 s26, s11;
	[sflag:s14] =	ssyncadd.s32 $0xFFFFE200  }
0x70: {  	[tilespmem:s3], [sflag:$0x1] =	stream.linear.gather [hbm4b:s1+s3], $0x190, $0x38;
	[tilespmem:$0x1B790] =	vst v63  }
0x71: {  	_ =	swait.ge [sflag:s14], $0x190  }
0x72: {  	[sflag:s14] =	ssyncset.done $0x0  }
0x73: {  	[sflag:s14] =	ssyncadd.s32 $0xFFFFFE70  }
0x74: {  	[tilespmem:s15], [sflag:$0x1] =	stream.linear.gather [hbm4b:s25+s3], $0x9600, $0x38;
	[tilespmem:$0x1B790] =	vst v63  }
0x75: {  	_ =	swait.ge [sflag:s14], $0x9600  }
0x76: {  	[sflag:s14] =	ssyncset.done $0x0  }
0x77: {  	[sflag:s14] =	ssyncadd.s32 $0xFFFF6A00  }
0x78: {  	[spmem:s2] =	stream.indirect.scatter.add.f32 [tilespmem:s15], [sflag:$0x1], $0x60, s3, s16, $0xb8;
	[tilespmem:$0x1B790] =	vst v63  }
0x79: {  	_ =	swait.ge [sflag:s14], $0x1E00  }
0x7a: {  	[sflag:s14] =	ssyncset.done $0x0  }
0x7b: {  	[sflag:s14] =	ssyncadd.s32 $0xFFFFE200  }
0x7c: {  	[spmem:s2] =	stream.indirect.scatter.add.f32 [tilespmem:s17], [sflag:$0x1], $0x60, s16, s16, $0xb8;
	[tilespmem:$0x1B790] =	vst v63  }
0x7d: {  	_ =	swait.ge [sflag:s14], $0x1E00  }
0x7e: {  	[sflag:s14] =	ssyncset.done $0x0  }
0x7f: {  	[sflag:s14] =	ssyncadd.s32 $0xFFFFE200  }
0x80: {  	[spmem:s2] =	stream.indirect.scatter.add.f32 [tilespmem:s19], [sflag:$0x1], $0x60, s18, s16, $0xb8;
	[tilespmem:$0x1B790] =	vst v63  }
0x81: {  	_ =	swait.ge [sflag:s14], $0x1E00  }
0x82: {  	[sflag:s14] =	ssyncset.done $0x0  }
0x83: {  	[sflag:s14] =	ssyncadd.s32 $0xFFFFE200  }
0x84: {  	[spmem:s2] =	stream.indirect.scatter.add.f32 [tilespmem:s21], [sflag:$0x1], $0x60, s20, s16, $0xb8;
	[tilespmem:$0x1B790] =	vst v63  }
0x85: {  	_ =	swait.ge [sflag:s14], $0x1E00  }
0x86: {  	[sflag:s14] =	ssyncset.done $0x0  }
0x87: {  	[sflag:s14] =	ssyncadd.s32 $0xFFFFE200  }
0x88: {  	[spmem:s2] =	stream.indirect.scatter.add.f32 [tilespmem:s23], [sflag:$0x1], $0x60, s22, s16, $0xb8;
	[tilespmem:$0x1B790] =	vst v63  }
0x89: {  	_ =	swait.ge [sflag:s14], $0x1E00  }
0x8a: {  	s30 =	sshll.u32 s0, $0x6;
	s24 =	sadd.s32 $0x1, s24;
	[sflag:s14] =	ssyncset.done $0x0  }
0x8b: {  	s31 =	sshrl.u32 s4, $0x3;
	p0 =	sne.s32 s24, s10;
	[sflag:s14] =	ssyncadd.s32 $0xFFFFE200  }
.Ltmp2:
0x8c: {  	s1 =	sor.u32 $0x1C01, s30;
	[bflag:$0x0] =	sbarrier.arrive $0xFFFF;
	(pc) =	sbr.rel @p0 .LBB2_1-.Ltmp2, $4  }
0x8d: {  	[hbm:s9], [sflag:s1] =	dma.local [spmem:s31], $0x1E00  }
0x8e: {  	_ =	swait.ge [sflag:s14], $0x1E00  }
0x8f: {  	[sflag:s14] =	ssyncset.done $0x0  }
0x90: {  	[sflag:s14] =	ssyncadd.s32 $0xFFFFE200  }
0x91: {  	_ =	sfence.sel $0x180000  }
0x92: {  	[bflag:$0x0] =	sbarrier.arrive $0xFFFF  }
0x93: {  	_ =	strace $0x9000004A  }
0x94: {  	[bflag:$0x2] =	sbarrier.arrive $0xFFFF  }
0x95: {  	p0 =	sne.s32 s0, $0x0;
	s0 =	rddreg [dreg:$0x3]  }
0x96: {  	s0 =	sadd.s32 @!p0 $0x100000, s0  }
0x97: {  	[sflag:s0] =	ssyncadd.tile.s32 @!p0 $0x1;
	_ =	shalt  }
.Lfunc_end2:
_tile_overlayer_lowered:
.L_overlay_start_2:
0x98: {  	(tag) =	ssettag $0x2  }
0x99: {  	s0 =	rddreg [dreg:$0x0];
	s2 =	stileid.u32  }
0x9a: {  	s1 =	rddreg [dreg:$0x1];
	p0 =	sne.s32 s2, $0x0  }
0x9b: {  	s3 =	rddreg [dreg:$0x2];
	[bflag:$0x3] =	sbarrier.arrive $0xFFFF;
	s2 =	simm.s32 @!p0 $0x1C01  }
0x9c: {  	[timem:s3], [sflag:s2] =	dma.local @!p0 [hbm:s0], s1  }
0x9d: {  	s0 =	simm.s32 @!p0 $0x1  }
0x9e: {  	_ =	swait.ge @!p0 [sflag:s0], s1  }
0x9f: {  	s1 =	ssub.s32 @!p0 $0x0, s1;
	[sflag:s0] =	ssyncset.done @!p0 $0x0  }
0xa0: {  	[sflag:s0] =	ssyncadd.s32 @!p0 s1  }
0xa1: {  	[bflag:$0x3] =	sbarrier.arrive $0xFFFF  }
0xa2: {  	_ =	shalt  }

</sc_bundles>
